<compile_context>
chip_gen: v7x
topology: tpu7x:2x2x1
jax: 0.10.2.dev20260603
libtpu: 0.0.44.dev20260713+nightly
codegen_flags: <defaults>
</compile_context>

<pallas_src>
import dataclasses
import functools

import jax
import jax.numpy as jnp
from jax import lax
from jax.experimental import pallas as pl
from jax.experimental.pallas import tpu as pltpu
from jax.experimental.pallas import tpu_sc as plsc

E = 8
T = 16384
D = 768
BM = 256
SCW = 128

@functools.cache
def _mesh():
    return plsc.VectorSubcoreMesh(core_axis_name="core", subcore_axis_name="subcore")


def _sc_params():
    cp = pltpu.CompilerParams()
    if "needs_layout_passes" in pltpu.CompilerParams.__dataclass_fields__:
        cp = dataclasses.replace(cp, needs_layout_passes=False)
    return cp


NW = 32
ROWS_W = T // NW
NCH = ROWS_W // SCW


def _worker_id():
    return lax.axis_index("core") * 16 + lax.axis_index("subcore")


def _dispatch(x, rw1, perm2):

    @functools.partial(
        pl.kernel,
        out_type=(
            jax.ShapeDtypeStruct((T, D), jnp.float32),
            jax.ShapeDtypeStruct((T,), jnp.float32),
        ),
        mesh=_mesh(),
        compiler_params=_sc_params(),
        scratch_types=[
            pltpu.VMEM((ROWS_W,), jnp.int32),
            pltpu.VMEM((SCW, D), jnp.float32),
            pltpu.VMEM((T,), jnp.float32),
            pltpu.VMEM((ROWS_W,), jnp.float32),
        ],
    )
    def k(x_hbm, rw_hbm, perm_hbm, xs_hbm, rws_hbm, idx_v, buf_v, rwt_v, rwo_v):
        w = _worker_id()
        base = w * ROWS_W
        pltpu.sync_copy(perm_hbm.at[w], idx_v)
        pltpu.sync_copy(rw_hbm, rwt_v)

        @pl.loop(0, ROWS_W // 16)
        def _(kk):
            iv = idx_v[pl.ds(kk * 16, 16)]
            rwo_v[pl.ds(kk * 16, 16)] = plsc.load_gather(rwt_v, [iv])

        pltpu.sync_copy(rwo_v, rws_hbm.at[pl.ds(base, ROWS_W)])

        @pl.loop(0, NCH)
        def _(j):
            pltpu.sync_copy(x_hbm.at[idx_v.at[pl.ds(j * SCW, SCW)]], buf_v)
            pltpu.sync_copy(buf_v, xs_hbm.at[pl.ds(base + j * SCW, SCW)])

    return k(x, rw1, perm2)


def _undispatch(ys, perm3):

    @functools.partial(
        pl.kernel,
        out_type=jax.ShapeDtypeStruct((T, D), jnp.float32),
        mesh=_mesh(),
        scratch_types=[
            pltpu.VMEM((NCH, SCW), jnp.int32),
            pltpu.VMEM((SCW, D), jnp.float32),
        ],
    )
    def k(ys_hbm, perm_hbm, o_hbm, idx_v, buf_v):
        w = _worker_id()
        base = w * ROWS_W
        pltpu.sync_copy(perm_hbm.at[w], idx_v)

        @pl.loop(0, NCH)
        def _(j):
            r0 = base + j * SCW
            pltpu.sync_copy(ys_hbm.at[pl.ds(r0, SCW)], buf_v)
            pltpu.sync_copy(buf_v, o_hbm.at[idx_v.at[j]])

    return k(ys, perm3)


NB = T // BM
NI = NB + E - 1


def _gmm_body(m_ref, g_ref, fv_ref, s_ref, t_ref, xs_ref, rws_ref, w_ref, b_ref, o_ref):
    i = pl.program_id(0)
    g = g_ref[i]
    row0 = m_ref[i] * BM
    rows = row0 + lax.broadcasted_iota(jnp.int32, (BM, 1), 0)
    mask = jnp.logical_and(rows >= s_ref[i], rows < t_ref[i])
    xm = jnp.where(mask, xs_ref[...], 0.0)
    w = w_ref[pl.ds(g, 1)][0]
    contrib = lax.dot_general(
        xm, w, (((1,), (1,)), ((), ())),
        preferred_element_type=jnp.float32,
    )
    bias = b_ref[pl.ds(g, 1)]
    contrib += jnp.where(mask, jnp.reshape(bias, (1, D)), 0.0)
    contrib *= rws_ref[...]

    @pl.when(fv_ref[i] == 1)
    def _():
        o_ref[...] = jnp.zeros((BM, D), jnp.float32)

    o_ref[...] += contrib


def _gmm(items, xs, rws, W, b):
    m_arr, g_arr, fv_arr, s_arr, t_arr = items
    grid_spec = pltpu.PrefetchScalarGridSpec(
        num_scalar_prefetch=5,
        grid=(NI,),
        in_specs=[
            pl.BlockSpec((BM, D), lambda i, m, g, fv, s, t: (m[i], 0)),
            pl.BlockSpec((BM, 1), lambda i, m, g, fv, s, t: (m[i], 0)),
            pl.BlockSpec((E, D, D), lambda i, m, g, fv, s, t: (0, 0, 0)),
            pl.BlockSpec((E, D), lambda i, m, g, fv, s, t: (0, 0)),
        ],
        out_specs=pl.BlockSpec((BM, D), lambda i, m, g, fv, s, t: (m[i], 0)),
    )
    return pl.pallas_call(
        _gmm_body,
        grid_spec=grid_spec,
        out_shape=jax.ShapeDtypeStruct((T, D), jnp.float32),
    )(m_arr, g_arr, fv_arr, s_arr, t_arr, xs, rws, W, b)


def _work_items(off):
    m = jnp.arange(NB, dtype=jnp.int32)[:, None]
    e = jnp.arange(E, dtype=jnp.int32)[None, :]
    lo = jnp.maximum(off[:-1][None, :], m * BM)
    hi = jnp.minimum(off[1:][None, :], (m + 1) * BM)
    ov = (hi > lo).ravel()
    idx = jnp.nonzero(ov, size=NI, fill_value=0)[0].astype(jnp.int32)
    valid = jnp.arange(NI) < jnp.sum(ov.astype(jnp.int32))
    m_arr = jnp.where(valid, idx // E, NB - 1).astype(jnp.int32)
    g_arr = jnp.where(valid, idx % E, E - 1).astype(jnp.int32)
    s_arr = jnp.where(valid, lo.ravel()[idx], 0).astype(jnp.int32)
    t_arr = jnp.where(valid, hi.ravel()[idx], 0).astype(jnp.int32)
    fv_arr = jnp.concatenate(
        [jnp.ones((1,), jnp.int32), (m_arr[1:] != m_arr[:-1]).astype(jnp.int32)]
    )
    return m_arr, g_arr, fv_arr, s_arr, t_arr


def _scale_body(y_ref, rw_ref, o_ref):
    o_ref[...] = y_ref[...] * rw_ref[...]


def _scale(y, rw):
    BS = 2048
    return pl.pallas_call(
        _scale_body,
        grid=(T // BS,),
        in_specs=[
            pl.BlockSpec((BS, D), lambda i: (i, 0)),
            pl.BlockSpec((BS, 1), lambda i: (i, 0)),
        ],
        out_specs=pl.BlockSpec((BS, D), lambda i: (i, 0)),
        out_shape=jax.ShapeDtypeStruct((T, D), jnp.float32),
    )(y, rw)


def _routing_plan(selected_experts):
    sel = selected_experts[:, 0]
    perm = jnp.argsort(sel).astype(jnp.int32)
    counts = jnp.sum(
        (sel[:, None] == jnp.arange(E, dtype=jnp.int32)[None, :]).astype(jnp.int32),
        axis=0,
    )
    off = jnp.concatenate(
        [jnp.zeros((1,), jnp.int32), jnp.cumsum(counts).astype(jnp.int32)]
    )
    return perm, off


def kernel(hidden_states, selected_experts, routing_weights, W, b):
    perm, off = _routing_plan(selected_experts)
    items = _work_items(off)
    xs, rws = _dispatch(
        hidden_states, routing_weights[:, 0], perm.reshape(NW, ROWS_W)
    )
    ys = _gmm(items, xs, rws.reshape(T, 1), W, b)
    return _undispatch(ys, perm.reshape(NW, NCH, SCW))

# --- scband reference (transcript-rebuilt; emitter-appended) ---
"""Pipeline reference for scband-aqexpert-wrapper-46832323395779 (READ-ONLY COPY).

The authoritative reference and input builder live on the scoring server;
editing this copy changes nothing except your own understanding.
"""

import jax, jax.numpy as jnp
import numpy as np

E = 8
T = 16384
D = 768

def setup_inputs(seed: int = 0) -> dict:
    key = jax.random.key(seed)
    k1, k2, k3, k4, k5 = jax.random.split(key, 5)
    hidden_states = jax.random.normal(k1, (T, D), dtype=jnp.float32)
    selected_experts = jax.random.randint(k2, (T, 1), 0, E).astype(jnp.int32)
    routing_weights = jax.random.uniform(k3, (T, 1), dtype=jnp.float32)
    # expert parameters: E independent nn.Linear(D, D) modules
    W = jax.random.normal(k4, (E, D, D), dtype=jnp.float32) * 0.02
    b = jax.random.normal(k5, (E, D), dtype=jnp.float32) * 0.02
    return {"hidden_states": hidden_states,
            "selected_experts": selected_experts,
            "routing_weights": routing_weights,
            "W": W, "b": b}

def reference(hidden_states, selected_experts, routing_weights, W, b):
    # Faithful translation of AQExpertWrapper.forward with top_k=1.
    # torch: for each expert idx present in selected_experts:
    #   mask = selected_experts == idx            [T, 1]
    #   token_indices = mask.any(-1)              [T]
    #   out[token_indices] += expert(x[token_indices]) * routing_weights[mask][:, None]
    # Dense-equivalent: per-token weight w_e is routing_weights where selected, else 0,
    # so expert_out * w_e contributes exactly at selected tokens and zero elsewhere.
    sel = selected_experts[:, 0]
    rw = routing_weights[:, 0]
    final = jnp.zeros_like(hidden_states)
    n_experts = W.shape[0]
    for e in range(n_experts):
        w_e = jnp.where(sel == e, rw, jnp.zeros_like(rw))
        expert_out = hidden_states @ W[e].T + b[e]
        final = final + expert_out * w_e[:, None]
    return final

if __name__ == "__main__":
    import jax
    _d = setup_inputs()
    print(jax.jit(kernel)(*tuple(_d.values())))

</pallas_src>

<mosaic_0001>
#map = affine_map<(d0, d1) -> (0, 0)>
#map1 = affine_map<(d0, d1) -> (0)>
module attributes {stable_mosaic.version = 14 : i64} {
  func.func @k(%arg0: i32, %arg1: i32, %arg2: memref<16384x768xf32, #tpu.memory_space<hbm>>, %arg3: memref<16384xf32, #tpu.memory_space<hbm>>, %arg4: memref<32x512xi32, #tpu.memory_space<hbm>>, %arg5: memref<16384x768xf32, #tpu.memory_space<hbm>>, %arg6: memref<16384xf32, #tpu.memory_space<hbm>>, %arg7: memref<512xi32, #tpu.memory_space<vmem>>, %arg8: memref<128x768xf32, #tpu.memory_space<vmem>>, %arg9: memref<16384xf32, #tpu.memory_space<vmem>>, %arg10: memref<512xf32, #tpu.memory_space<vmem>>) attributes {dimension_semantics = [#tpu.dimension_semantics<core_parallel>, #tpu.dimension_semantics<subcore_parallel>], iteration_bounds = array<i64: 2, 16>, scalar_prefetch = 0 : i64, scratch_operands = 4 : i64, tpu.core_type = #tpu.core_type<sc_vector_subcore>, window_params = [{transform_indices = #map}, {transform_indices = #map1}, {transform_indices = #map}, {transform_indices = #map}, {transform_indices = #map1}]} {
    %mul3A = arith.constant 16 : i32
    %mul3A_0 = arith.muli %arg0, %mul3A : i32
    %add3A = arith.addi %mul3A_0, %arg1 : i32
    %mul3A_1 = arith.constant 512 : i32
    %mul3A_2 = arith.muli %add3A, %mul3A_1 : i32
    "tpu.region"() ({
      %run_scoped3A = tpu.sem_alloc : memref<!tpu.dma_semaphore, #tpu.memory_space<semaphore_mem>>
      %dma_start3A = arith.constant 0 : i32
      %dma_start3A_12 = tpu.memref_slice %arg4[%add3A, %dma_start3A] : memref<32x512xi32, #tpu.memory_space<hbm>> -> memref<1x512xi32, #tpu.memory_space<hbm>>
      %dma_start3A_13 = tpu.memref_squeeze %dma_start3A_12 : memref<1x512xi32, #tpu.memory_space<hbm>> -> memref<512xi32, #tpu.memory_space<hbm>>
      %dma_start3A_14 = arith.constant 0 : i32
      %dma_start3A_15 = tpu.memref_slice %arg4[%add3A, %dma_start3A_14] : memref<32x512xi32, #tpu.memory_space<hbm>> -> memref<1x512xi32, #tpu.memory_space<hbm>>
      %dma_start3A_16 = tpu.memref_squeeze %dma_start3A_15 : memref<1x512xi32, #tpu.memory_space<hbm>> -> memref<512xi32, #tpu.memory_space<hbm>>
      tpu.enqueue_dma source(%dma_start3A_16 : memref<512xi32, #tpu.memory_space<hbm>>) target(%arg7 : memref<512xi32, #tpu.memory_space<vmem>>) target_semaphore(%run_scoped3A : memref<!tpu.dma_semaphore, #tpu.memory_space<semaphore_mem>>)
      %dma_wait3A = arith.constant 0 : i32
      %dma_wait3A_17 = tpu.memref_slice %arg4[%add3A, %dma_wait3A] : memref<32x512xi32, #tpu.memory_space<hbm>> -> memref<1x512xi32, #tpu.memory_space<hbm>>
      %dma_wait3A_18 = tpu.memref_squeeze %dma_wait3A_17 : memref<1x512xi32, #tpu.memory_space<hbm>> -> memref<512xi32, #tpu.memory_space<hbm>>
      %dma_wait3A_19 = arith.constant 0 : i32
      %dma_wait3A_20 = tpu.memref_slice %arg4[%add3A, %dma_wait3A_19] : memref<32x512xi32, #tpu.memory_space<hbm>> -> memref<1x512xi32, #tpu.memory_space<hbm>>
      %dma_wait3A_21 = tpu.memref_squeeze %dma_wait3A_20 : memref<1x512xi32, #tpu.memory_space<hbm>> -> memref<512xi32, #tpu.memory_space<hbm>>
      tpu.wait_dma2 semaphore(%run_scoped3A : memref<!tpu.dma_semaphore, #tpu.memory_space<semaphore_mem>>) src(%dma_wait3A_21 : memref<512xi32, #tpu.memory_space<hbm>>) dst(%arg7 : memref<512xi32, #tpu.memory_space<vmem>>)
      tpu.yield
    }) : () -> ()
    "tpu.region"() ({
      %run_scoped3A = tpu.sem_alloc : memref<!tpu.dma_semaphore, #tpu.memory_space<semaphore_mem>>
      tpu.enqueue_dma source(%arg3 : memref<16384xf32, #tpu.memory_space<hbm>>) target(%arg9 : memref<16384xf32, #tpu.memory_space<vmem>>) target_semaphore(%run_scoped3A : memref<!tpu.dma_semaphore, #tpu.memory_space<semaphore_mem>>)
      tpu.wait_dma2 semaphore(%run_scoped3A : memref<!tpu.dma_semaphore, #tpu.memory_space<semaphore_mem>>) src(%arg3 : memref<16384xf32, #tpu.memory_space<hbm>>) dst(%arg9 : memref<16384xf32, #tpu.memory_space<vmem>>)
      tpu.yield
    }) : () -> ()
    %scan3A = arith.constant 0 : i32
    %scan3A_3 = arith.constant 32 : i32
    %scan3A_4 = arith.addi %scan3A, %scan3A_3 : i32
    %scan3A_5 = arith.constant 1 : i32
    scf.for %scan3A_12 = %scan3A to %scan3A_4 step %scan3A_5  : i32 {
      %mul3A_13 = arith.constant 1 : i32
      %mul3A_14 = arith.muli %scan3A_12, %mul3A_13 : i32
      %add3A_15 = arith.constant 0 : i32
      %add3A_16 = arith.addi %add3A_15, %mul3A_14 : i32
      %mul3A_17 = arith.constant 16 : i32
      %mul3A_18 = arith.muli %add3A_16, %mul3A_17 : i32
      %get3A = arith.index_cast %mul3A_18 : i32 to index
      %get3A_19 = tpu.vector_load %arg7[%get3A] {strides = array<i32>} : memref<512xi32, #tpu.memory_space<vmem>>, vector<16xi32>,
      %gather3A = tpu.vector_load_idx %arg9[%get3A_19] : memref<16384xf32, #tpu.memory_space<vmem>>[vector<16xi32>], vector<16xf32>,
      %mul3A_20 = arith.constant 16 : i32
      %mul3A_21 = arith.muli %add3A_16, %mul3A_20 : i32
      %swap3A = arith.index_cast %mul3A_21 : i32 to index
      %swap3A_22 = tpu.vector_load %arg10[%swap3A] {strides = array<i32>} : memref<512xf32, #tpu.memory_space<vmem>>, vector<16xf32>,
      tpu.vector_store %arg10[%swap3A], %gather3A {strides = array<i32>} : memref<512xf32, #tpu.memory_space<vmem>>, vector<16xf32>,
    }
    %scan3A_6 = arith.constant 32 : i32
    "tpu.region"() ({
      %run_scoped3A = tpu.sem_alloc : memref<!tpu.dma_semaphore, #tpu.memory_space<semaphore_mem>>
      %dma_start3A = tpu.memref_slice %arg6[%mul3A_2] : memref<16384xf32, #tpu.memory_space<hbm>> -> memref<512xf32, #tpu.memory_space<hbm>>
      %dma_start3A_12 = tpu.memref_slice %arg6[%mul3A_2] : memref<16384xf32, #tpu.memory_space<hbm>> -> memref<512xf32, #tpu.memory_space<hbm>>
      tpu.enqueue_dma source(%arg10 : memref<512xf32, #tpu.memory_space<vmem>>) target(%dma_start3A_12 : memref<512xf32, #tpu.memory_space<hbm>>) target_semaphore(%run_scoped3A : memref<!tpu.dma_semaphore, #tpu.memory_space<semaphore_mem>>)
      %dma_wait3A = tpu.memref_slice %arg6[%mul3A_2] : memref<16384xf32, #tpu.memory_space<hbm>> -> memref<512xf32, #tpu.memory_space<hbm>>
      %dma_wait3A_13 = tpu.memref_slice %arg6[%mul3A_2] : memref<16384xf32, #tpu.memory_space<hbm>> -> memref<512xf32, #tpu.memory_space<hbm>>
      tpu.wait_dma2 semaphore(%run_scoped3A : memref<!tpu.dma_semaphore, #tpu.memory_space<semaphore_mem>>) src(%arg10 : memref<512xf32, #tpu.memory_space<vmem>>) dst(%dma_wait3A_13 : memref<512xf32, #tpu.memory_space<hbm>>)
      tpu.yield
    }) : () -> ()
    %scan3A_7 = arith.constant 0 : i32
    %scan3A_8 = arith.constant 4 : i32
    %scan3A_9 = arith.addi %scan3A_7, %scan3A_8 : i32
    %scan3A_10 = arith.constant 1 : i32
    scf.for %scan3A_12 = %scan3A_7 to %scan3A_9 step %scan3A_10  : i32 {
      %mul3A_13 = arith.constant 1 : i32
      %mul3A_14 = arith.muli %scan3A_12, %mul3A_13 : i32
      %add3A_15 = arith.constant 0 : i32
      %add3A_16 = arith.addi %add3A_15, %mul3A_14 : i32
      %mul3A_17 = arith.constant 128 : i32
      %mul3A_18 = arith.muli %add3A_16, %mul3A_17 : i32
      "tpu.region"() ({
        %run_scoped3A = tpu.sem_alloc : memref<!tpu.dma_semaphore, #tpu.memory_space<semaphore_mem>>
        %dma_start3A = tpu.memref_slice %arg7[%mul3A_18] : memref<512xi32, #tpu.memory_space<vmem>> -> memref<128xi32, #tpu.memory_space<vmem>>
        %dma_start3A_22 = arith.constant 0 : i32
        %dma_start3A_23 = arith.constant 0 : i32
        %dma_start3A_24 = tpu.memref_slice %arg2[%dma_start3A_22, %dma_start3A_23] : memref<16384x768xf32, #tpu.memory_space<hbm>> -> memref<16384x768xf32, #tpu.memory_space<hbm>>
        tpu.enqueue_indirect_dma source(%dma_start3A_24 : memref<16384x768xf32, #tpu.memory_space<hbm>>) target(%arg8 : memref<128x768xf32, #tpu.memory_space<vmem>>) offsets(%dma_start3A : memref<128xi32, #tpu.memory_space<vmem>>) semaphore(%run_scoped3A : memref<!tpu.dma_semaphore, #tpu.memory_space<semaphore_mem>>)
        %dma_wait3A = tpu.memref_slice %arg7[%mul3A_18] : memref<512xi32, #tpu.memory_space<vmem>> -> memref<128xi32, #tpu.memory_space<vmem>>
        %dma_wait3A_25 = arith.constant 0 : i32
        %dma_wait3A_26 = arith.constant 0 : i32
        %dma_wait3A_27 = tpu.memref_slice %arg2[%dma_wait3A_25, %dma_wait3A_26] : memref<16384x768xf32, #tpu.memory_space<hbm>> -> memref<16384x768xf32, #tpu.memory_space<hbm>>
        tpu.wait_indirect_dma semaphore(%run_scoped3A : memref<!tpu.dma_semaphore, #tpu.memory_space<semaphore_mem>>) src(%dma_wait3A_27 : memref<16384x768xf32, #tpu.memory_space<hbm>>) dst(%arg8 : memref<128x768xf32, #tpu.memory_space<vmem>>)
        tpu.yield
      }) : () -> ()
      %mul3A_19 = arith.constant 128 : i32
      %mul3A_20 = arith.muli %add3A_16, %mul3A_19 : i32
      %add3A_21 = arith.addi %mul3A_2, %mul3A_20 : i32
      "tpu.region"() ({
        %run_scoped3A = tpu.sem_alloc : memref<!tpu.dma_semaphore, #tpu.memory_space<semaphore_mem>>
        %dma_start3A = arith.constant 0 : i32
        %dma_start3A_22 = tpu.memref_slice %arg5[%add3A_21, %dma_start3A] : memref<16384x768xf32, #tpu.memory_space<hbm>> -> memref<128x768xf32, #tpu.memory_space<hbm>>
        %dma_start3A_23 = arith.constant 0 : i32
        %dma_start3A_24 = tpu.memref_slice %arg5[%add3A_21, %dma_start3A_23] : memref<16384x768xf32, #tpu.memory_space<hbm>> -> memref<128x768xf32, #tpu.memory_space<hbm>>
        tpu.enqueue_dma source(%arg8 : memref<128x768xf32, #tpu.memory_space<vmem>>) target(%dma_start3A_24 : memref<128x768xf32, #tpu.memory_space<hbm>>) target_semaphore(%run_scoped3A : memref<!tpu.dma_semaphore, #tpu.memory_space<semaphore_mem>>)
        %dma_wait3A = arith.constant 0 : i32
        %dma_wait3A_25 = tpu.memref_slice %arg5[%add3A_21, %dma_wait3A] : memref<16384x768xf32, #tpu.memory_space<hbm>> -> memref<128x768xf32, #tpu.memory_space<hbm>>
        %dma_wait3A_26 = arith.constant 0 : i32
        %dma_wait3A_27 = tpu.memref_slice %arg5[%add3A_21, %dma_wait3A_26] : memref<16384x768xf32, #tpu.memory_space<hbm>> -> memref<128x768xf32, #tpu.memory_space<hbm>>
        tpu.wait_dma2 semaphore(%run_scoped3A : memref<!tpu.dma_semaphore, #tpu.memory_space<semaphore_mem>>) src(%arg8 : memref<128x768xf32, #tpu.memory_space<vmem>>) dst(%dma_wait3A_27 : memref<128x768xf32, #tpu.memory_space<hbm>>)
        tpu.yield
      }) : () -> ()
    }
    %scan3A_11 = arith.constant 4 : i32
    return
  }
}

#map = affine_map<(d0, d1) -> (0, 0)>
#map1 = affine_map<(d0, d1) -> (0, 0, 0)>
module attributes {stable_mosaic.version = 14 : i64} {
  func.func @k(%arg0: i32, %arg1: i32, %arg2: memref<16384x768xf32, #tpu.memory_space<hbm>>, %arg3: memref<32x4x128xi32, #tpu.memory_space<hbm>>, %arg4: memref<16384x768xf32, #tpu.memory_space<hbm>>, %arg5: memref<4x128xi32, #tpu.memory_space<vmem>>, %arg6: memref<128x768xf32, #tpu.memory_space<vmem>>) attributes {dimension_semantics = [#tpu.dimension_semantics<core_parallel>, #tpu.dimension_semantics<subcore_parallel>], iteration_bounds = array<i64: 2, 16>, scalar_prefetch = 0 : i64, scratch_operands = 2 : i64, tpu.core_type = #tpu.core_type<sc_vector_subcore>, window_params = [{transform_indices = #map}, {transform_indices = #map1}, {transform_indices = #map}]} {
    %mul3A = arith.constant 16 : i32
    %mul3A_0 = arith.muli %arg0, %mul3A : i32
    %add3A = arith.addi %mul3A_0, %arg1 : i32
    %mul3A_1 = arith.constant 512 : i32
    %mul3A_2 = arith.muli %add3A, %mul3A_1 : i32
    "tpu.region"() ({
      %run_scoped3A = tpu.sem_alloc : memref<!tpu.dma_semaphore, #tpu.memory_space<semaphore_mem>>
      %dma_start3A = arith.constant 0 : i32
      %dma_start3A_7 = arith.constant 0 : i32
      %dma_start3A_8 = tpu.memref_slice %arg3[%add3A, %dma_start3A, %dma_start3A_7] : memref<32x4x128xi32, #tpu.memory_space<hbm>> -> memref<1x4x128xi32, #tpu.memory_space<hbm>>
      %dma_start3A_9 = tpu.memref_squeeze %dma_start3A_8 : memref<1x4x128xi32, #tpu.memory_space<hbm>> -> memref<4x128xi32, #tpu.memory_space<hbm>>
      %dma_start3A_10 = arith.constant 0 : i32
      %dma_start3A_11 = arith.constant 0 : i32
      %dma_start3A_12 = tpu.memref_slice %arg3[%add3A, %dma_start3A_10, %dma_start3A_11] : memref<32x4x128xi32, #tpu.memory_space<hbm>> -> memref<1x4x128xi32, #tpu.memory_space<hbm>>
      %dma_start3A_13 = tpu.memref_squeeze %dma_start3A_12 : memref<1x4x128xi32, #tpu.memory_space<hbm>> -> memref<4x128xi32, #tpu.memory_space<hbm>>
      tpu.enqueue_dma source(%dma_start3A_13 : memref<4x128xi32, #tpu.memory_space<hbm>>) target(%arg5 : memref<4x128xi32, #tpu.memory_space<vmem>>) target_semaphore(%run_scoped3A : memref<!tpu.dma_semaphore, #tpu.memory_space<semaphore_mem>>)
      %dma_wait3A = arith.constant 0 : i32
      %dma_wait3A_14 = arith.constant 0 : i32
      %dma_wait3A_15 = tpu.memref_slice %arg3[%add3A, %dma_wait3A, %dma_wait3A_14] : memref<32x4x128xi32, #tpu.memory_space<hbm>> -> memref<1x4x128xi32, #tpu.memory_space<hbm>>
      %dma_wait3A_16 = tpu.memref_squeeze %dma_wait3A_15 : memref<1x4x128xi32, #tpu.memory_space<hbm>> -> memref<4x128xi32, #tpu.memory_space<hbm>>
      %dma_wait3A_17 = arith.constant 0 : i32
      %dma_wait3A_18 = arith.constant 0 : i32
      %dma_wait3A_19 = tpu.memref_slice %arg3[%add3A, %dma_wait3A_17, %dma_wait3A_18] : memref<32x4x128xi32, #tpu.memory_space<hbm>> -> memref<1x4x128xi32, #tpu.memory_space<hbm>>
      %dma_wait3A_20 = tpu.memref_squeeze %dma_wait3A_19 : memref<1x4x128xi32, #tpu.memory_space<hbm>> -> memref<4x128xi32, #tpu.memory_space<hbm>>
      tpu.wait_dma2 semaphore(%run_scoped3A : memref<!tpu.dma_semaphore, #tpu.memory_space<semaphore_mem>>) src(%dma_wait3A_20 : memref<4x128xi32, #tpu.memory_space<hbm>>) dst(%arg5 : memref<4x128xi32, #tpu.memory_space<vmem>>)
      tpu.yield
    }) : () -> ()
    %scan3A = arith.constant 0 : i32
    %scan3A_3 = arith.constant 4 : i32
    %scan3A_4 = arith.addi %scan3A, %scan3A_3 : i32
    %scan3A_5 = arith.constant 1 : i32
    scf.for %scan3A_7 = %scan3A to %scan3A_4 step %scan3A_5  : i32 {
      %mul3A_8 = arith.constant 1 : i32
      %mul3A_9 = arith.muli %scan3A_7, %mul3A_8 : i32
      %add3A_10 = arith.constant 0 : i32
      %add3A_11 = arith.addi %add3A_10, %mul3A_9 : i32
      %mul3A_12 = arith.constant 128 : i32
      %mul3A_13 = arith.muli %add3A_11, %mul3A_12 : i32
      %add3A_14 = arith.addi %mul3A_2, %mul3A_13 : i32
      "tpu.region"() ({
        %run_scoped3A = tpu.sem_alloc : memref<!tpu.dma_semaphore, #tpu.memory_space<semaphore_mem>>
        %dma_start3A = arith.constant 0 : i32
        %dma_start3A_15 = tpu.memref_slice %arg2[%add3A_14, %dma_start3A] : memref<16384x768xf32, #tpu.memory_space<hbm>> -> memref<128x768xf32, #tpu.memory_space<hbm>>
        %dma_start3A_16 = arith.constant 0 : i32
        %dma_start3A_17 = tpu.memref_slice %arg2[%add3A_14, %dma_start3A_16] : memref<16384x768xf32, #tpu.memory_space<hbm>> -> memref<128x768xf32, #tpu.memory_space<hbm>>
        tpu.enqueue_dma source(%dma_start3A_17 : memref<128x768xf32, #tpu.memory_space<hbm>>) target(%arg6 : memref<128x768xf32, #tpu.memory_space<vmem>>) target_semaphore(%run_scoped3A : memref<!tpu.dma_semaphore, #tpu.memory_space<semaphore_mem>>)
        %dma_wait3A = arith.constant 0 : i32
        %dma_wait3A_18 = tpu.memref_slice %arg2[%add3A_14, %dma_wait3A] : memref<16384x768xf32, #tpu.memory_space<hbm>> -> memref<128x768xf32, #tpu.memory_space<hbm>>
        %dma_wait3A_19 = arith.constant 0 : i32
        %dma_wait3A_20 = tpu.memref_slice %arg2[%add3A_14, %dma_wait3A_19] : memref<16384x768xf32, #tpu.memory_space<hbm>> -> memref<128x768xf32, #tpu.memory_space<hbm>>
        tpu.wait_dma2 semaphore(%run_scoped3A : memref<!tpu.dma_semaphore, #tpu.memory_space<semaphore_mem>>) src(%dma_wait3A_20 : memref<128x768xf32, #tpu.memory_space<hbm>>) dst(%arg6 : memref<128x768xf32, #tpu.memory_space<vmem>>)
        tpu.yield
      }) : () -> ()
      "tpu.region"() ({
        %run_scoped3A = tpu.sem_alloc : memref<!tpu.dma_semaphore, #tpu.memory_space<semaphore_mem>>
        %dma_start3A = arith.constant 0 : i32
        %dma_start3A_15 = tpu.memref_slice %arg5[%add3A_11, %dma_start3A] : memref<4x128xi32, #tpu.memory_space<vmem>> -> memref<1x128xi32, #tpu.memory_space<vmem>>
        %dma_start3A_16 = tpu.memref_squeeze %dma_start3A_15 : memref<1x128xi32, #tpu.memory_space<vmem>> -> memref<128xi32, #tpu.memory_space<vmem>>
        %dma_start3A_17 = arith.constant 0 : i32
        %dma_start3A_18 = arith.constant 0 : i32
        %dma_start3A_19 = tpu.memref_slice %arg4[%dma_start3A_17, %dma_start3A_18] : memref<16384x768xf32, #tpu.memory_space<hbm>> -> memref<16384x768xf32, #tpu.memory_space<hbm>>
        tpu.enqueue_indirect_dma source(%arg6 : memref<128x768xf32, #tpu.memory_space<vmem>>) target(%dma_start3A_19 : memref<16384x768xf32, #tpu.memory_space<hbm>>) offsets(%dma_start3A_16 : memref<128xi32, #tpu.memory_space<vmem>>) semaphore(%run_scoped3A : memref<!tpu.dma_semaphore, #tpu.memory_space<semaphore_mem>>)
        %dma_wait3A = arith.constant 0 : i32
        %dma_wait3A_20 = tpu.memref_slice %arg5[%add3A_11, %dma_wait3A] : memref<4x128xi32, #tpu.memory_space<vmem>> -> memref<1x128xi32, #tpu.memory_space<vmem>>
        %dma_wait3A_21 = tpu.memref_squeeze %dma_wait3A_20 : memref<1x128xi32, #tpu.memory_space<vmem>> -> memref<128xi32, #tpu.memory_space<vmem>>
        %dma_wait3A_22 = arith.constant 0 : i32
        %dma_wait3A_23 = arith.constant 0 : i32
        %dma_wait3A_24 = tpu.memref_slice %arg4[%dma_wait3A_22, %dma_wait3A_23] : memref<16384x768xf32, #tpu.memory_space<hbm>> -> memref<16384x768xf32, #tpu.memory_space<hbm>>
        tpu.wait_indirect_dma semaphore(%run_scoped3A : memref<!tpu.dma_semaphore, #tpu.memory_space<semaphore_mem>>) src(%arg6 : memref<128x768xf32, #tpu.memory_space<vmem>>) dst(%dma_wait3A_24 : memref<16384x768xf32, #tpu.memory_space<hbm>>)
        tpu.yield
      }) : () -> ()
    }
    %scan3A_6 = arith.constant 4 : i32
    return
  }
}

module attributes {stable_mosaic.version = 14 : i64} {
  func.func @_gmm_body(%arg0: i32, %arg1: memref<71xi32, #tpu.memory_space<smem>>, %arg2: memref<71xi32, #tpu.memory_space<smem>>, %arg3: memref<71xi32, #tpu.memory_space<smem>>, %arg4: memref<71xi32, #tpu.memory_space<smem>>, %arg5: memref<71xi32, #tpu.memory_space<smem>>, %arg6: memref<256x768xf32, #tpu.memory_space<vmem>>, %arg7: memref<256x1xf32, #tpu.memory_space<vmem>>, %arg8: memref<8x768x768xf32, #tpu.memory_space<vmem>>, %arg9: memref<8x768xf32, #tpu.memory_space<vmem>>, %arg10: memref<256x768xf32, #tpu.memory_space<vmem>>) attributes {dimension_semantics = [#tpu.dimension_semantics<arbitrary>], iteration_bounds = array<i64: 71>, scalar_prefetch = 5 : i64, scratch_operands = 0 : i64, tpu.core_type = #tpu.core_type<tc>, window_params = [{transform_indices = @transform_0, window_bounds = array<i64: 256, 768>}, {transform_indices = @transform_1, window_bounds = array<i64: 256, 1>}, {pipeline_mode = #tpu.pipeline_mode<synchronous>, transform_indices = @transform_2, window_bounds = array<i64: 8, 768, 768>}, {pipeline_mode = #tpu.pipeline_mode<synchronous>, transform_indices = @transform_3, window_bounds = array<i64: 8, 768>}, {transform_indices = @transform_4, window_bounds = array<i64: 256, 768>}]} {
    %get3A = arith.index_cast %arg0 : i32 to index
    %get3A_0 = memref.load %arg2[%get3A] : memref<71xi32, #tpu.memory_space<smem>>
    %get3A_1 = arith.index_cast %arg0 : i32 to index
    %get3A_2 = memref.load %arg1[%get3A_1] : memref<71xi32, #tpu.memory_space<smem>>
    %mul3A = arith.constant 256 : i32
    %mul3A_3 = arith.muli %get3A_2, %mul3A : i32
    %iota3A = tpu.iota {dimensions = array<i32: 0>} : vector<256x1xi32>
    %add3A = vector.broadcast %mul3A_3 : i32 to vector<256x1xi32>
    %add3A_4 = arith.addi %add3A, %iota3A : vector<256x1xi32>
    %get3A_5 = arith.index_cast %arg0 : i32 to index
    %get3A_6 = memref.load %arg4[%get3A_5] : memref<71xi32, #tpu.memory_space<smem>>
    %ge3A = vector.broadcast %get3A_6 : i32 to vector<256x1xi32>
    %ge3A_7 = arith.cmpi sge, %add3A_4, %ge3A : vector<256x1xi32>
    %get3A_8 = arith.index_cast %arg0 : i32 to index
    %get3A_9 = memref.load %arg5[%get3A_8] : memref<71xi32, #tpu.memory_space<smem>>
    %lt3A = vector.broadcast %get3A_9 : i32 to vector<256x1xi32>
    %lt3A_10 = arith.cmpi slt, %add3A_4, %lt3A : vector<256x1xi32>
    %and3A = arith.andi %ge3A_7, %lt3A_10 : vector<256x1xi1>
    %get3A_11 = arith.constant 0 : index
    %get3A_12 = arith.constant 0 : index
    %get3A_13 = vector.load %arg6[%get3A_11, %get3A_12] : memref<256x768xf32, #tpu.memory_space<vmem>>, vector<256x768xf32>
    %jit3A = arith.constant 0.000000e+00 : f32
    %broadcast_in_dim3A = vector.shape_cast %and3A : vector<256x1xi1> to vector<256x1xi1>
    %broadcast_in_dim3A_14 = vector.broadcast %broadcast_in_dim3A : vector<256x1xi1> to vector<256x768xi1>
    %broadcast_in_dim3A_15 = vector.broadcast %jit3A : f32 to vector<256x768xf32>
    %select_n3A = arith.select %broadcast_in_dim3A_14, %get3A_13, %broadcast_in_dim3A_15 : vector<256x768xi1>, vector<256x768xf32>
    %get3A_16 = arith.index_cast %get3A_0 : i32 to index
    %get3A_17 = arith.constant 0 : index
    %get3A_18 = arith.constant 0 : index
    %get3A_19 = vector.load %arg8[%get3A_16, %get3A_17, %get3A_18] : memref<8x768x768xf32, #tpu.memory_space<vmem>>, vector<1x768x768xf32>
    %squeeze3A = vector.shape_cast %get3A_19 : vector<1x768x768xf32> to vector<768x768xf32>
    %dot_general3A = arith.constant dense<0.000000e+00> : vector<256x768xf32>
    %dot_general3A_20 = tpu.matmul %select_n3A, %squeeze3A, %dot_general3A {dimension_numbers = #tpu.dot_dimension_numbers<[1], [1], [0], [0], [0, 0, 1, 0], [], []>, transpose_lhs_hint = false} : vector<256x768xf32>, vector<768x768xf32>, vector<256x768xf32> -> vector<256x768xf32>
    %get3A_21 = arith.index_cast %get3A_0 : i32 to index
    %get3A_22 = arith.constant 0 : index
    %get3A_23 = vector.load %arg9[%get3A_21, %get3A_22] : memref<8x768xf32, #tpu.memory_space<vmem>>, vector<1x768xf32>
    %jit3A_24 = arith.constant 0.000000e+00 : f32
    %broadcast_in_dim3A_25 = vector.shape_cast %and3A : vector<256x1xi1> to vector<256x1xi1>
    %broadcast_in_dim3A_26 = vector.broadcast %broadcast_in_dim3A_25 : vector<256x1xi1> to vector<256x768xi1>
    %broadcast_in_dim3A_27 = vector.shape_cast %get3A_23 : vector<1x768xf32> to vector<1x768xf32>
    %broadcast_in_dim3A_28 = vector.broadcast %broadcast_in_dim3A_27 : vector<1x768xf32> to vector<256x768xf32>
    %broadcast_in_dim3A_29 = vector.broadcast %jit3A_24 : f32 to vector<256x768xf32>
    %select_n3A_30 = arith.select %broadcast_in_dim3A_26, %broadcast_in_dim3A_28, %broadcast_in_dim3A_29 : vector<256x768xi1>, vector<256x768xf32>
    %add3A_31 = arith.addf %dot_general3A_20, %select_n3A_30 : vector<256x768xf32>
    %get3A_32 = arith.constant 0 : index
    %get3A_33 = arith.constant 0 : index
    %get3A_34 = vector.load %arg7[%get3A_32, %get3A_33] : memref<256x1xf32, #tpu.memory_space<vmem>>, vector<256x1xf32>
    %mul3A_35 = vector.broadcast %get3A_34 : vector<256x1xf32> to vector<256x768xf32>
    %mul3A_36 = arith.mulf %add3A_31, %mul3A_35 : vector<256x768xf32>
    %get3A_37 = arith.index_cast %arg0 : i32 to index
    %get3A_38 = memref.load %arg3[%get3A_37] : memref<71xi32, #tpu.memory_space<smem>>
    %eq3A = arith.constant 1 : i32
    %eq3A_39 = arith.cmpi eq, %get3A_38, %eq3A : i32
    %convert_element_type3A = arith.extui %eq3A_39 : i1 to i32
    %cond3A = arith.constant 0 : i32
    %cond3A_40 = arith.cmpi ne, %convert_element_type3A, %cond3A : i32
    scf.if %cond3A_40 {
      %broadcast_in_dim3A_47 = arith.constant 0.000000e+00 : f32
      %broadcast_in_dim3A_48 = vector.broadcast %broadcast_in_dim3A_47 : f32 to vector<256x768xf32>
      %swap3A_49 = arith.constant 0 : index
      %swap3A_50 = arith.constant 0 : index
      %swap3A_51 = vector.load %arg10[%swap3A_49, %swap3A_50] : memref<256x768xf32, #tpu.memory_space<vmem>>, vector<256x768xf32>
      tpu.vector_store %arg10[%swap3A_49, %swap3A_50], %broadcast_in_dim3A_48 {strides = array<i32>} : memref<256x768xf32, #tpu.memory_space<vmem>>, vector<256x768xf32>,
    } else {
    }
    %get3A_41 = arith.constant 0 : index
    %get3A_42 = arith.constant 0 : index
    %get3A_43 = vector.load %arg10[%get3A_41, %get3A_42] : memref<256x768xf32, #tpu.memory_space<vmem>>, vector<256x768xf32>
    %add3A_44 = arith.addf %get3A_43, %mul3A_36 : vector<256x768xf32>
    %swap3A = arith.constant 0 : index
    %swap3A_45 = arith.constant 0 : index
    %swap3A_46 = vector.load %arg10[%swap3A, %swap3A_45] : memref<256x768xf32, #tpu.memory_space<vmem>>, vector<256x768xf32>
    tpu.vector_store %arg10[%swap3A, %swap3A_45], %add3A_44 {strides = array<i32>} : memref<256x768xf32, #tpu.memory_space<vmem>>, vector<256x768xf32>,
    return
  }
  func.func @transform_0(%arg0: i32, %arg1: memref<71xi32, #tpu.memory_space<smem>>, %arg2: memref<71xi32, #tpu.memory_space<smem>>, %arg3: memref<71xi32, #tpu.memory_space<smem>>, %arg4: memref<71xi32, #tpu.memory_space<smem>>, %arg5: memref<71xi32, #tpu.memory_space<smem>>) -> (i32, i32) {
    %get3A = arith.index_cast %arg0 : i32 to index
    %get3A_0 = memref.load %arg1[%get3A] : memref<71xi32, #tpu.memory_space<smem>>
    %c0_i32 = arith.constant 0 : i32
    %c0_i32_1 = arith.constant 0 : i32
    return %get3A_0, %c0_i32 : i32, i32
  }
  func.func @transform_1(%arg0: i32, %arg1: memref<71xi32, #tpu.memory_space<smem>>, %arg2: memref<71xi32, #tpu.memory_space<smem>>, %arg3: memref<71xi32, #tpu.memory_space<smem>>, %arg4: memref<71xi32, #tpu.memory_space<smem>>, %arg5: memref<71xi32, #tpu.memory_space<smem>>) -> (i32, i32) {
    %get3A = arith.index_cast %arg0 : i32 to index
    %get3A_0 = memref.load %arg1[%get3A] : memref<71xi32, #tpu.memory_space<smem>>
    %c0_i32 = arith.constant 0 : i32
    %c0_i32_1 = arith.constant 0 : i32
    return %get3A_0, %c0_i32 : i32, i32
  }
  func.func @transform_2(%arg0: i32, %arg1: memref<71xi32, #tpu.memory_space<smem>>, %arg2: memref<71xi32, #tpu.memory_space<smem>>, %arg3: memref<71xi32, #tpu.memory_space<smem>>, %arg4: memref<71xi32, #tpu.memory_space<smem>>, %arg5: memref<71xi32, #tpu.memory_space<smem>>) -> (i32, i32, i32) {
    %c0_i32 = arith.constant 0 : i32
    %c0_i32_0 = arith.constant 0 : i32
    %c0_i32_1 = arith.constant 0 : i32
    %c0_i32_2 = arith.constant 0 : i32
    return %c0_i32, %c0_i32_0, %c0_i32_1 : i32, i32, i32
  }
  func.func @transform_3(%arg0: i32, %arg1: memref<71xi32, #tpu.memory_space<smem>>, %arg2: memref<71xi32, #tpu.memory_space<smem>>, %arg3: memref<71xi32, #tpu.memory_space<smem>>, %arg4: memref<71xi32, #tpu.memory_space<smem>>, %arg5: memref<71xi32, #tpu.memory_space<smem>>) -> (i32, i32) {
    %c0_i32 = arith.constant 0 : i32
    %c0_i32_0 = arith.constant 0 : i32
    %c0_i32_1 = arith.constant 0 : i32
    return %c0_i32, %c0_i32_0 : i32, i32
  }
  func.func @transform_4(%arg0: i32, %arg1: memref<71xi32, #tpu.memory_space<smem>>, %arg2: memref<71xi32, #tpu.memory_space<smem>>, %arg3: memref<71xi32, #tpu.memory_space<smem>>, %arg4: memref<71xi32, #tpu.memory_space<smem>>, %arg5: memref<71xi32, #tpu.memory_space<smem>>) -> (i32, i32) {
    %get3A = arith.index_cast %arg0 : i32 to index
    %get3A_0 = memref.load %arg1[%get3A] : memref<71xi32, #tpu.memory_space<smem>>
    %c0_i32 = arith.constant 0 : i32
    %c0_i32_1 = arith.constant 0 : i32
    return %get3A_0, %c0_i32 : i32, i32
  }
}

</mosaic_0001>

<sc_bundles>
// kernel: kernel.5.cloned.1.call-start
scs
__scs_entry_jumppad:
0x0: {  	(pc) =	sbr.rel $0x88, $3  }
0x1: {  	(tag) =	ssettag $0x0;
	lr =	simm.s32 $0x1  }
0x2: {  	[smem:$0x3F9C] =	sst lr;
	_ =	strace $0xD0000000  }
0x3: {  	_ = 	snop  }
0x4: {  	_ = 	snop  }
0x5: {  	_ = 	snop  }
0x6: {  	_ = 	snop  }
0x7: {  	_ = 	snop  }
__scs_overlays_trampoline_lowered:
0x8: {  	[smem:$0x3FAB] =	sst s0  }
0x9: {  	[smem:$0x3FAC] =	sst s1  }
0xa: {  	[smem:$0x3FAD] =	sst s2  }
0xb: {  	[smem:$0x3FAE] =	sst s3  }
0xc: {  	[smem:$0x3FAF] =	sst s4  }
0xd: {  	[smem:$0x3FB0] =	sst s5  }
0xe: {  	[smem:$0x3FB1] =	sst s6  }
0xf: {  	[smem:$0x3FB2] =	sst s7  }
0x10: {  	[smem:$0x3FB3] =	sst s8  }
0x11: {  	[smem:$0x3FB4] =	sst s9;
	s0 =	simm.s32 @!p0 $0x0  }
0x12: {  	s1 =	sld [smem:$0x3F9A];
	s0 =	simm.s32 @p0 $0x1  }
0x13: {  	[smem:$0x3FB5] =	sst s0;
	s0 =	simm.s32 @!p1 $0x0  }
0x14: {  	s2 =	sld [smem:$0x3F99];
	s0 =	simm.s32 @p1 $0x1  }
0x15: {  	[smem:$0x3FB6] =	sst s0;
	s0 =	simm.s32 @!p2 $0x0  }
0x16: {  	s3 =	sld [smem:$0x3FDB];
	s0 =	simm.s32 @p2 $0x1  }
0x17: {  	s4 =	simm.s32 $0x1BF5;
	[smem:$0x3FB8] =	sst s0  }
0x18: {  	s0 =	sld [smem:$0x3F9B];
	_ =	swait.ge [sflag:s4], $0x0  }
0x19: {  	s7 =	sld [smem:$0x3F9C]  }
0x1a: {  	s8 =	sadd.s32 $0xFFFFE003, lr  }
0x1b: {  	s9 =	sadd.s32 $0xFFFFFEF7, lr;
	s5 =	simm.s32 $0xFFFFFFFF;
	p2 =	slt.u32 s8, $0xFFFFF086  }
0x1c: {  	p1 =	slt.u32 s9, $0xF7A;
	s5 =	simm.s32 @!p2 $0x0  }
0x1d: {  	s5 =	simm.s32 @p1 $0x1;
	p0 =	seq.s32 s7, s2  }
0x1e: {  	s7 =	smul.u32 @!p0 $0xF7A, s2;
	p2 =	seq.s32 @!p0 s5, $0x0  }
0x1f: {  	s9 =	smul.u32 $0xF7A, s1;
	s8 =	simm.s32 @!p0 $0x1BF5;
	p2 =	por !p2, p0  }
0x20: {  	[sflag:s8] =	ssyncset.s32 @!p0 $0xFFFFF086;
	s6 =	sadd.s32 @!p0 s3, s7;
	s7 =	simm.s32 @!p0 $0x108  }
0x21: {  	s3 =	sadd.s32 s3, s9;
	s6 =	sadd.s32 @!p0 $0x88, s6;
	s7 =	simm.s32 @p2 $0x1082  }
0x22: {  	[simem:s7], [sflag:s8] =	dma.local @!p0 [hbm:s6], $0xF7A  }
0x23: {  	s9 =	sor.u32 $0xD0000000, s2;
	s6 =	simm.s32 $0x108;
	_ =	swait.ge @!p0 [sflag:s8], $0x0  }
0x24: {  	s3 =	sadd.s32 $0x88, s3;
	s6 =	simm.s32 @!p1 $0x1082;
	[sflag:s4] =	ssyncset.s32 $0xFFFFF086  }
0x25: {  	[simem:s6], [sflag:s4] =	dma.local [hbm:s3], $0xF7A  }
0x26: {  	[smem:$0x3F9C] =	sst s1;
	(tag) =	ssettag s2;
	_ =	strace s9  }
0x27: {  	s1 =	sld [smem:$0x3FAC]  }
0x28: {  	s2 =	sld [smem:$0x3FAD]  }
0x29: {  	s4 =	sld [smem:$0x3FAF]  }
0x2a: {  	p0 =	seq.s32 s5, $0x0;
	s5 =	sld [smem:$0x3FB0]  }
0x2b: {  	s6 =	sld [smem:$0x3FB1]  }
0x2c: {  	s7 =	sld [smem:$0x3FB2]  }
0x2d: {  	s3 =	simm.s32 $0x108;
	s8 =	sld [smem:$0x3FB3]  }
0x2e: {  	s3 =	simm.s32 @!p0 $0x1082;
	s9 =	sld [smem:$0x3FB4]  }
0x2f: {  	lr =	sadd.s32 s0, s3;
	s0 =	sld [smem:$0x3FAB]  }
0x30: {  	s3 =	sld [smem:$0x3FAE]  }
0x31: {  	[smem:$0x3FB7] =	sst s10  }
0x32: {  	s10 =	sld [smem:$0x3FB5];
	_ =	sdelay $0x3  }
0x33: {  	p0 =	seq.s32 s10, $0x1;
	s10 =	sld [smem:$0x3FB7];
	_ =	sdelay $0x3  }
0x34: {  	[smem:$0x3FB7] =	sst s10  }
0x35: {  	s10 =	sld [smem:$0x3FB6];
	_ =	sdelay $0x3  }
0x36: {  	p1 =	seq.s32 s10, $0x1;
	s10 =	sld [smem:$0x3FB7];
	_ =	sdelay $0x3  }
0x37: {  	[smem:$0x3FB7] =	sst s10  }
0x38: {  	s10 =	sld [smem:$0x3FB8]  }
0x39: {  	_ = 	snop;
	(pc) =	sbr.ind lr, $3  }
0x3a: {  	_ = 	snop  }
0x3b: {  	_ = 	snop  }
0x3c: {  	p2 =	seq.s32 s10, $0x1;
	s10 =	sld [smem:$0x3FB7]  }
0x3d: {  	_ =	shalt  }
0x3e: {  	_ =	shalt  }
0x3f: {  	_ =	shalt  }
0x40: {  	_ =	shalt  }
0x41: {  	_ =	shalt  }
0x42: {  	_ =	shalt  }
0x43: {  	_ =	shalt  }
0x44: {  	_ =	shalt  }
0x45: {  	_ =	shalt  }
0x46: {  	_ =	shalt  }
0x47: {  	_ =	shalt  }
0x48: {  	_ =	shalt  }
0x49: {  	_ =	shalt  }
0x4a: {  	_ =	shalt  }
0x4b: {  	_ =	shalt  }
0x4c: {  	_ =	shalt  }
0x4d: {  	_ =	shalt  }
0x4e: {  	_ =	shalt  }
0x4f: {  	_ =	shalt  }
0x50: {  	_ =	shalt  }
0x51: {  	_ =	shalt  }
0x52: {  	_ =	shalt  }
0x53: {  	_ =	shalt  }
0x54: {  	_ =	shalt  }
0x55: {  	_ =	shalt  }
0x56: {  	_ =	shalt  }
0x57: {  	_ =	shalt  }
0x58: {  	_ =	shalt  }
0x59: {  	_ =	shalt  }
0x5a: {  	_ =	shalt  }
0x5b: {  	_ =	shalt  }
0x5c: {  	_ =	shalt  }
0x5d: {  	_ =	shalt  }
0x5e: {  	_ =	shalt  }
0x5f: {  	_ =	shalt  }
0x60: {  	_ =	shalt  }
0x61: {  	_ =	shalt  }
0x62: {  	_ =	shalt  }
0x63: {  	_ =	shalt  }
0x64: {  	_ =	shalt  }
0x65: {  	_ =	shalt  }
0x66: {  	_ =	shalt  }
0x67: {  	_ =	shalt  }
0x68: {  	_ =	shalt  }
0x69: {  	_ =	shalt  }
0x6a: {  	_ =	shalt  }
0x6b: {  	_ =	shalt  }
0x6c: {  	_ =	shalt  }
0x6d: {  	_ =	shalt  }
0x6e: {  	_ =	shalt  }
0x6f: {  	_ =	shalt  }
0x70: {  	_ =	shalt  }
0x71: {  	_ =	shalt  }
0x72: {  	_ =	shalt  }
0x73: {  	_ =	shalt  }
0x74: {  	_ =	shalt  }
0x75: {  	_ =	shalt  }
0x76: {  	_ =	shalt  }
0x77: {  	_ =	shalt  }
0x78: {  	_ =	shalt  }
0x79: {  	_ =	shalt  }
0x7a: {  	_ =	shalt  }
0x7b: {  	_ =	shalt  }
0x7c: {  	_ =	shalt  }
0x7d: {  	_ =	shalt  }
0x7e: {  	_ =	shalt  }
0x7f: {  	_ =	shalt  }
0x80: {  	_ =	shalt  }
0x81: {  	_ =	shalt  }
0x82: {  	_ =	shalt  }
0x83: {  	_ =	shalt  }
0x84: {  	_ =	shalt  }
0x85: {  	_ =	shalt  }
0x86: {  	_ =	shalt  }
0x87: {  	_ =	shalt  }
.Lfunc_end0:
.L_simem_size_0:
called_computation.1_lowered:
.L_overlay_start_0:
0x88: {  	s2 =	sld [smem:$0x3FD9]  }
0x89: {  	s3 =	sld [smem:$0x3FFE];
	_ =	sdelay $0x1  }
0x8a: {  	s1 =	srdreg.scid  }
0x8b: {  	s0 =	sand.u32 $0x1, s1  }
0x8c: {  	s17 =	sshll.u32 s0, $0xA;
	s2 =	sadd.s32 s3, s2  }
0x8d: {  	s2 =	sadd.s32 s2, s17  }
0x8e: {  	[smem:$0x3FC3] =	sst s2  }
0x8f: {  	_ = 	snop  }
0x90: {  	s4 =	sld [smem:$0x3FC9]  }
0x91: {  	s5 =	sld [smem:$0x3FC7]  }
0x92: {  	s18 =	sld [smem:$0x3FD0];
	(tm) =	ssettm $0x1  }
0x93: {  	s19 =	sld [smem:$0x3FFB];
	_ =	sdelay $0x3  }
0x94: {  	_ =	strace s19  }
0x95: {  	s2 =	sld [smem:$0x3FFC];
	_ =	sdelay $0x3  }
0x96: {  	_ =	strace s2  }
0x97: {  	s2 =	sld [smem:$0x3FFD];
	_ =	sdelay $0x3  }
0x98: {  	_ =	strace s2  }
0x99: {  	_ =	strace $0x8FFFFFFF  }
0x9a: {  	s20 =	sld [smem:$0x3FDB];
	_ =	sdelay $0x1  }
0x9b: {  	s6 =	simm.s32 $_scs_section_size  }
0x9c: {  	s7 =	simm.s32 $_size__tile_overlayer_lowered;
	s8 =	simm.s32 $_tile_overlayer_lowered  }
0x9d: {  	s9 =	simm.s32 $0x1BFF;
	s21 =	sshll.u32 s8, $0x1;
	s6 =	sadd.s32 s6, s20  }
0x9e: {  	s22 =	simm.s32 $0x0;
	s7 =	sshll.u32 s7, $0x1;
	s8 =	sadd.s32 s21, s6  }
0x9f: {  	[timem:s22], [sflag:s9] =	dma.local [hbm:s8], s7  }
0xa0: {  	_ =	swait.ge [sflag:s9], s7  }
0xa1: {  	s7 =	ssub.s32 $0x0, s7;
	[sflag:s9] =	ssyncset.done $0x0  }
0xa2: {  	[sflag:s9] =	ssyncadd.s32 s7;
	_ =	sdelay $0x1  }
0xa3: {  	s23 =	simm.s32 $0x1B8B  }
0xa4: {  	_ =	swait.ge [sflag:s23], $0x1  }
0xa5: {  	[sflag:s23] =	ssyncset.done $0x0  }
0xa6: {  	[sflag:s23] =	ssyncadd.s32 $0xFFFFFFFF  }
0xa7: {  	s7 =	sld [smem:$0x0]  }
0xa8: {  	s8 =	sand.u32 $0xFFFFFFFE, s1  }
0xa9: {  	p0 =	sne.s32 s1, s8  }
0xaa: {  	s8 =	sshll.u32 @p0 s8, $0xE  }
0xab: {  	s8 =	sadd.s32 @p0 $0x11B8D, s8;
	s9 =	sshll.u32 @p0 s7, $0x11  }
0xac: {  	s8 =	sor.u32 @p0 s9, s8  }
0xad: {  	[sflag:s8] =	ssyncadd.remote.s32 @p0 $0x1;
	_ =	sdelay $0x1  }
0xae: {  	s8 =	simm.s32 @p0 $0x1B8D  }
0xaf: {  	_ =	swait.eq @p0 [sflag:s8], $0x1  }
0xb0: {  	[sflag:s8] =	ssyncadd.s32 @p0 $0xFFFFFFFF  }
0xb1: {  	s9 =	sshll.u32 @!p0 s1, $0xE  }
0xb2: {  	s9 =	sor.u32 @!p0 $0x4000, s9;
	s8 =	simm.s32 @!p0 $0x1B8D  }
0xb3: {  	s7 =	sshll.u32 @!p0 s7, $0x11;
	s9 =	sadd.s32 @!p0 $0x11B8D, s9;
	_ =	swait.eq @!p0 [sflag:s8], $0x1  }
0xb4: {  	s7 =	sor.u32 @!p0 s7, s9;
	[sflag:s8] =	ssyncadd.s32 @!p0 $0xFFFFFFFF  }
0xb5: {  	s25 =	simm.s32 $0x1B8E;
	s24 =	sld [smem:$0x3FFE];
	[sflag:s7] =	ssyncadd.remote.s32 @!p0 $0x1  }
0xb6: {  	s26 =	simm.s32 $execute0_lowered;
	[smem:$0x3FD2] =	sst s25  }
0xb7: {  	s8 =	sshll.u32 s26, $0x1;
	_ =	strace $0x80000049;
	[dreg:$0x1] =	wrdreg $0xFFFFFFFF  }
0xb8: {  	s28 =	simm.s32 $_size_execute0_lowered;
	s6 =	sadd.s32 s6, s8;
	[dreg:$0x0] =	wrdreg $0x0  }
0xb9: {  	s8 =	sshll.u32 s28, $0x1;
	[dreg:$0x2] =	wrdreg s6  }
0xba: {  	[dreg:$0x3] =	wrdreg s8  }
0xbb: {  	[dreg:$0x4] =	wrdreg $0xC0  }
0xbc: {  	_ =	task [dreg:s22], $0x5FFFF  }
0xbd: {  	[dreg:$0x1] =	wrdreg $0xFFFFFFFF  }
0xbe: {  	[dreg:$0x0] =	wrdreg $0x60  }
0xbf: {  	[dreg:$0x2] =	wrdreg s4  }
0xc0: {  	[dreg:$0x3] =	wrdreg s5  }
0xc1: {  	[dreg:$0x4] =	wrdreg s24  }
0xc2: {  	[dreg:$0x5] =	wrdreg s18  }
0xc3: {  	[dreg:$0x6] =	wrdreg $0xA  }
0xc4: {  	_ =	task.clear_ibuf [dreg:s22], $0x7FFFF;
	_ =	strace $0x90000049  }
0xc5: {  	s29 =	simm.s32 $0xA;
	_ =	strace $0x8000004B  }
0xc6: {  	_ =	swait.ge [sflag:s29], $0x1  }
0xc7: {  	[sflag:s29] =	ssyncadd.s32 $0xFFFFFFFF  }
0xc8: {  	_ =	strace $0x9000004B  }
0xc9: {  	_ =	sfence  }
0xca: {  	s30 =	sld [smem:$0x0];
	_ =	sdelay $0x2  }
0xcb: {  	s31 =	sshll.u32 s1, $0xD;
	s1 =	sshrl.u32 s1, $0x2  }
0xcc: {  	s4 =	sand.u32 $0x4000, s31;
	s1 =	sadd.s32 s1, s30  }
0xcd: {  	s0 =	sor.u32 s4, s0;
	s1 =	sshll.u32 s1, $0x11  }
0xce: {  	s0 =	sor.u32 s1, s0  }
0xcf: {  	s0 =	sadd.s32 $0x8F2B, s0  }
0xd0: {  	[sflag:s0] =	ssyncadd.remote.s32 $0x1  }
0xd1: {  	_ =	sfence.sel $0xFFFF  }
0xd2: {  	[dreg:$0x0] =	wrdreg $0xFFFFFFFF;
	(pc) =	sbr.abs _section_cstart, $3  }
0xd3: {  	[dreg:$0x1] =	wrdreg $0xFFFFFFFF  }
0xd4: {  	_ =	task.clear_ibuf [dreg:s22], $0x2FFFF;
	_ =	strace $0x9FFFFFFF  }
0xd5: {  	(tm) =	ssettm $0x7FFFFFFF  }
tec
execute0_lowered:
.L_overlay_start_1:
0x0: {  	(tag) =	ssettag $0x1  }
0x1: {  	s0 =	rddreg [dreg:$0x0]  }
0x2: {  	s1 =	rddreg [dreg:$0x2]  }
0x3: {  	s3 =	rddreg [dreg:$0x3];
	s4 =	simm.s32 $0x0  }
0x4: {  	s16 =	simm.s32 $0xA00;
	[smem:$0x7FF] =	sst s4  }
0x5: {  	s17 =	simm.s32 $0x1200;
	_ =	strace $0x8000004A;
	[dreg:$0x6] =	wrdreg s16  }
0x6: {  	s18 =	simm.s32 $0x1A00;
	[dreg:$0x7] =	wrdreg s17  }
0x7: {  	s19 =	simm.s32 $0x2200;
	[dreg:$0x8] =	wrdreg s18  }
0x8: {  	s20 =	simm.s32 $0x2A00;
	[dreg:$0x9] =	wrdreg s19  }
0x9: {  	s21 =	simm.s32 $0x3200;
	[dreg:$0xa] =	wrdreg s20  }
0xa: {  	s23 =	simm.s32 $0x3A00;
	[dreg:$0xb] =	wrdreg s21  }
0xb: {  	s2 =	srdreg.scid;
	s24 =	simm.s32 $0x4200;
	[dreg:$0xc] =	wrdreg s23  }
0xc: {  	s7 =	stileid.u32;
	s25 =	simm.s32 $0x4A00;
	[dreg:$0xd] =	wrdreg s24  }
0xd: {  	s8 =	simm.s32 $0x5200;
	s9 =	simm.s32 $0x5A00;
	[dreg:$0xe] =	wrdreg s25  }
0xe: {  	s10 =	simm.s32 $0x6200;
	s11 =	simm.s32 $0x6A00;
	[dreg:$0xf] =	wrdreg s8  }
0xf: {  	s12 =	simm.s32 $0x7200;
	s14 =	simm.s32 $0x7A00;
	[dreg:$0x10] =	wrdreg s9  }
0x10: {  	s15 =	simm.s32 $0x8200;
	s28 =	simm.s32 $0x13A00;
	[dreg:$0x11] =	wrdreg s10  }
0x11: {  	s29 =	simm.s32 $0x14200;
	s30 =	simm.s32 $0x14A00;
	[dreg:$0x12] =	wrdreg s11  }
0x12: {  	s31 =	simm.s32 $0x15200;
	s2 =	sand.u32 $0x1, s2;
	[dreg:$0x13] =	wrdreg s12  }
0x13: {  	s6 =	smul.u32 $0xC000, s7;
	s22 =	sshll.u32 s7, $0x4;
	[dreg:$0x14] =	wrdreg s14  }
0x14: {  	s7 =	sshll.u32 s7, $0x6;
	[dreg:$0x15] =	wrdreg s15;
	s16 =	simm.s32 $0x8A00  }
0x15: {  	s5 =	smul.u32 $0xC0000, s2;
	s17 =	simm.s32 $0x9200;
	[dreg:$0x16] =	wrdreg s16  }
0x16: {  	s26 =	sshll.u32 s2, $0xA;
	s18 =	simm.s32 $0x9A00;
	[dreg:$0x17] =	wrdreg s17  }
0x17: {  	s2 =	ssub.s32 $0x2, s2;
	s19 =	simm.s32 $0xA200;
	[dreg:$0x18] =	wrdreg s18  }
0x18: {  	s20 =	simm.s32 $0xAA00;
	s8 =	sadd.s32 $0x200, s0;
	[dreg:$0x19] =	wrdreg s19  }
0x19: {  	s21 =	simm.s32 $0xB200;
	s23 =	simm.s32 $0xC200;
	[dreg:$0x1a] =	wrdreg s20  }
0x1a: {  	s24 =	simm.s32 $0xCA00;
	s12 =	simm.s32 $0x1;
	[dreg:$0x1b] =	wrdreg s21  }
0x1b: {  	s25 =	simm.s32 $0xD200;
	s15 =	simm.s32 $0x200;
	[dreg:$0x1d] =	wrdreg s23  }
0x1c: {  	s10 =	simm.s32 $0x17200;
	s11 =	simm.s32 $0x17A00;
	[dreg:$0x1e] =	wrdreg s24  }
0x1d: {  	s13 =	sshrl.u32 s2, $0x1;
	[dreg:$0x1f] =	wrdreg s25;
	s16 =	simm.s32 $0xE200  }
0x1e: {  	s17 =	simm.s32 $0xEA00;
	s18 =	simm.s32 $0xF200;
	s19 =	simm.s32 $0xFA00  }
0x1f: {  	s20 =	simm.s32 $0x10200;
	s21 =	simm.s32 $0x10A00;
	s23 =	simm.s32 $0x11A00  }
0x20: {  	s24 =	simm.s32 $0x12200;
	s25 =	simm.s32 $0x12A00;
	s3 =	sadd.s32 s5, s3  }
0x21: {  	s5 =	sand.u32 $0x70, s22;
	s2 =	ssub.s32 s2, s13;
	s22 =	simm.s32 $0xBA00  }
0x22: {  	s13 =	simm.s32 $0x18200;
	s3 =	sadd.s32 s6, s3;
	s5 =	sadd.s32 s5, s1  }
0x23: {  	s6 =	sor.u32 s7, s26;
	s7 =	sadd.s32 $0x100, s0;
	[dreg:$0x1c] =	wrdreg s22  }
0x24: {  	s2 =	smax.u32 s2, $0x1;
	s26 =	simm.s32 $0xDA00;
	[dreg:$0x5] =	wrdreg s3  }
0x25: {  	s22 =	simm.s32 $0x11200;
	s1 =	sadd.s32 s6, s1;
	[smem:$0x7FC] =	sst s2  }
0x26: {  	s6 =	sand.u32 $0x600, s6;
	[smem:$0x7FD] =	sst s26;
	s26 =	simm.s32 $0x13200  }
0x27: {  	v2 =	vlaneseq.u32;
	s2 =	simm.s32 $0x15A00;
	s5 =	sadd.s32 s6, s5;
	s1 =	sadd.s32 $0x1600, s1  }
0x28: {  	vm0 =	vmmov $0xffff;
	v1 =	vshrl.u32 v2, $0x3;
	s3 =	simm.s32 $0x16200;
	s5 =	sadd.s32 $0xA00, s5;
	[smem:$0x7FB] =	sst s1  }
0x29: {  	v0 =	vand.u32 $0x7, v2;
	v2 =	vor.u32 $0x8, v2;
	v1 =	vmul.u32 $0x8, v1;
	s6 =	simm.s32 $0x0;
	s1 =	simm.s32 $0x16A00;
	[smem:$0x7FA] =	sst s5  }
.LBB2_1:
0x2a: {  	s5 =	sld [smem:$0x7FA];
	_ =	sdelay $0x1  }
0x2b: {  	[smem:$0x7F9] =	sst s6;
	s14 =	simm.s32 $0x80;
	s9 =	simm.s32 $0x400  }
0x2c: {  	[tilespmem:s4], [sflag:$0x1] =	stream.strided.gather [hbm4b:s5+s14], $0x200, s9, s14, $0x38;
	[tilespmem:$0x1C400] =	vst v63  }
0x2d: {  	_ =	swait.ge [sflag:s12], $0x200  }
0x2e: {  	[sflag:s12] =	ssyncset.done $0x0  }
0x2f: {  	[sflag:s12] =	ssyncadd.s32 $0xFFFFFE00  }
0x30: {  	s14 =	rddreg [dreg:$0x1]  }
0x31: {  	[tilespmem:s13], [sflag:$0x1] =	stream.linear.gather [hbm4b:s14+s4], $0x4000, $0x38;
	[tilespmem:$0x1C400] =	vst v63  }
0x32: {  	_ =	swait.ge [sflag:s12], $0x4000  }
0x33: {  	[sflag:s12] =	ssyncset.done $0x0  }
0x34: {  	s5 =	simm.s32 $0x0;
	[sflag:s12] =	ssyncadd.s32 $0xFFFFC000  }
0x35: {  	v3 =	vld [tilespmem:s5+$0x0];
	_ =	sdelay $0x7  }
0x36: {  	s6 =	simm.s32 $0x10;
	s9 =	simm.s32 $0x80;
	v3 =	vld.idx.msk [tilespmem:v3+s13+$0x0], $0xffff  }
.LBB2_2:
0x37: {  	p0 =	sne.s32 s9, $0x7C0;
	v4 =	vld [tilespmem:s6+$0x0];
	_ =	sdelay $0x3  }
.Ltmp0:
0x38: {  	(pc) =	sbr.rel @p0 .LBB2_2-.Ltmp0, $2  }
0x39: {  	[tilespmem:s5+$0x1C200] =	vst v3;
	s5 =	smov.u32 s6;
	_ =	sdelay $0x2  }
0x3a: {  	s6 =	sshra.s32 s9, $0x2;
	s9 =	sadd.s32 $0x40, s9;
	v3 =	vld.idx.msk [tilespmem:v4+s13+$0x0], $0xffff  }
0x3b: {  	v4 =	vld [tilespmem:s6+$0x0];
	_ =	sdelay $0x6  }
0x3c: {  	[tilespmem:s5+$0x1C200] =	vst v3  }
0x3d: {  	v3 =	vld.idx.msk [tilespmem:v4+s13+$0x0], $0xffff;
	_ =	sdelay $0x2  }
0x3e: {  	s14 =	sld [smem:$0x7FB];
	_ =	sdelay $0x1  }
0x3f: {  	s9 =	simm.s32 $0x1C200;
	s5 =	simm.s32 $0x0;
	[tilespmem:s6+$0x1C200] =	vst v3  }
0x40: {  	[hbm4b:s14+s5] =	stream.linear.scatter [tilespmem:s9], [sflag:$0x1], $0x200, $0x38;
	[tilespmem:$0x1C400] =	vst v63  }
0x41: {  	_ =	swait.ge [sflag:s12], $0x200  }
0x42: {  	[sflag:s12] =	ssyncset.done $0x0  }
0x43: {  	s6 =	simm.s32 $0x40;
	[sflag:s12] =	ssyncadd.s32 $0xFFFFFE00  }
.LBB2_4:
0x44: {  	v3 =	vld [tilespmem:s6+$0xFFFFFFC0];
	_ =	sdelay $0x4  }
0x45: {  	v4 =	vshrl.u32 v3, $0x3  }
0x46: {  	v4 =	vmul.u32 $0x30, v4  }
0x47: {  	v3 =	vand.u32 $0x7, v3  }
0x48: {  	v3 =	vor.u32 v3, v4  }
0x49: {  	v4 =	vperm.xlane v3, v0;
	_ =	sdelay $0x1  }
0x4a: {  	v4 =	vadd.s32 v1, v4;
	_ =	sdelay $0x3  }
0x4b: {  	v3 =	vperm.xlane v3, v2  }
0x4c: {  	[tilespmem:s15], [sflag:$0x1] =	stream.indirect_vreg.gather [hbm4b:s0+s4], $0x80, v4, vm0, $0xb8;
	[tilespmem:$0x1C400] =	vst v63  }
0x4d: {  	s9 =	rddreg [dreg:$0x6];
	v3 =	vadd.s32 v1, v3  }
0x4e: {  	[tilespmem:s9], [sflag:$0x1] =	stream.indirect_vreg.gather [hbm4b:s7+s4], $0x80, v4, vm0, $0xb8;
	[tilespmem:$0x1C400] =	vst v63  }
0x4f: {  	s14 =	rddreg [dreg:$0x7]  }
0x50: {  	[tilespmem:s14], [sflag:$0x1] =	stream.indirect_vreg.gather [hbm4b:s8+s4], $0x80, v4, vm0, $0xb8;
	[tilespmem:$0x1C400] =	vst v63  }
0x51: {  	s9 =	rddreg [dreg:$0x8]  }
0x52: {  	[tilespmem:s9], [sflag:$0x1] =	stream.indirect_vreg.gather [hbm4b:s0+s4], $0x80, v3, vm0, $0xb8;
	[tilespmem:$0x1C400] =	vst v63  }
0x53: {  	s14 =	rddreg [dreg:$0x9]  }
0x54: {  	[tilespmem:s14], [sflag:$0x1] =	stream.indirect_vreg.gather [hbm4b:s7+s4], $0x80, v3, vm0, $0xb8;
	[tilespmem:$0x1C400] =	vst v63  }
0x55: {  	s9 =	rddreg [dreg:$0xa]  }
0x56: {  	[tilespmem:s9], [sflag:$0x1] =	stream.indirect_vreg.gather [hbm4b:s8+s4], $0x80, v3, vm0, $0xb8;
	[tilespmem:$0x1C400] =	vst v63  }
0x57: {  	v3 =	vld [tilespmem:s6+$0xFFFFFFD0];
	_ =	sdelay $0x4  }
0x58: {  	v57 =	vshrl.u32 v3, $0x3  }
0x59: {  	v4 =	vmul.u32 $0x30, v57  }
0x5a: {  	v3 =	vand.u32 $0x7, v3  }
0x5b: {  	v3 =	vor.u32 v3, v4  }
0x5c: {  	v4 =	vperm.xlane v3, v0;
	_ =	sdelay $0x1  }
0x5d: {  	v4 =	vadd.s32 v1, v4;
	_ =	sdelay $0x3  }
0x5e: {  	s9 =	rddreg [dreg:$0xb];
	v3 =	vperm.xlane v3, v2  }
0x5f: {  	[tilespmem:s9], [sflag:$0x1] =	stream.indirect_vreg.gather [hbm4b:s0+s4], $0x80, v4, vm0, $0xb8;
	[tilespmem:$0x1C400] =	vst v63  }
0x60: {  	s14 =	rddreg [dreg:$0xc];
	v3 =	vadd.s32 v1, v3  }
0x61: {  	[tilespmem:s14], [sflag:$0x1] =	stream.indirect_vreg.gather [hbm4b:s7+s4], $0x80, v4, vm0, $0xb8;
	[tilespmem:$0x1C400] =	vst v63  }
0x62: {  	s9 =	rddreg [dreg:$0xd]  }
0x63: {  	[tilespmem:s9], [sflag:$0x1] =	stream.indirect_vreg.gather [hbm4b:s8+s4], $0x80, v4, vm0, $0xb8;
	[tilespmem:$0x1C400] =	vst v63  }
0x64: {  	s14 =	rddreg [dreg:$0xe]  }
0x65: {  	[tilespmem:s14], [sflag:$0x1] =	stream.indirect_vreg.gather [hbm4b:s0+s4], $0x80, v3, vm0, $0xb8;
	[tilespmem:$0x1C400] =	vst v63  }
0x66: {  	s9 =	rddreg [dreg:$0xf]  }
0x67: {  	[tilespmem:s9], [sflag:$0x1] =	stream.indirect_vreg.gather [hbm4b:s7+s4], $0x80, v3, vm0, $0xb8;
	[tilespmem:$0x1C400] =	vst v63  }
0x68: {  	s14 =	rddreg [dreg:$0x10]  }
0x69: {  	[tilespmem:s14], [sflag:$0x1] =	stream.indirect_vreg.gather [hbm4b:s8+s4], $0x80, v3, vm0, $0xb8;
	[tilespmem:$0x1C400] =	vst v63  }
0x6a: {  	v3 =	vld [tilespmem:s6+$0xFFFFFFE0];
	_ =	sdelay $0x4  }
0x6b: {  	v58 =	vshrl.u32 v3, $0x3  }
0x6c: {  	v4 =	vmul.u32 $0x30, v58  }
0x6d: {  	v3 =	vand.u32 $0x7, v3  }
0x6e: {  	v3 =	vor.u32 v3, v4  }
0x6f: {  	v4 =	vperm.xlane v3, v0;
	_ =	sdelay $0x1  }
0x70: {  	v4 =	vadd.s32 v1, v4;
	_ =	sdelay $0x3  }
0x71: {  	s9 =	rddreg [dreg:$0x11];
	v3 =	vperm.xlane v3, v2  }
0x72: {  	[tilespmem:s9], [sflag:$0x1] =	stream.indirect_vreg.gather [hbm4b:s0+s4], $0x80, v4, vm0, $0xb8;
	[tilespmem:$0x1C400] =	vst v63  }
0x73: {  	s14 =	rddreg [dreg:$0x12];
	v3 =	vadd.s32 v1, v3  }
0x74: {  	[tilespmem:s14], [sflag:$0x1] =	stream.indirect_vreg.gather [hbm4b:s7+s4], $0x80, v4, vm0, $0xb8;
	[tilespmem:$0x1C400] =	vst v63  }
0x75: {  	s9 =	rddreg [dreg:$0x13]  }
0x76: {  	[tilespmem:s9], [sflag:$0x1] =	stream.indirect_vreg.gather [hbm4b:s8+s4], $0x80, v4, vm0, $0xb8;
	[tilespmem:$0x1C400] =	vst v63  }
0x77: {  	s14 =	rddreg [dreg:$0x14]  }
0x78: {  	[tilespmem:s14], [sflag:$0x1] =	stream.indirect_vreg.gather [hbm4b:s0+s4], $0x80, v3, vm0, $0xb8;
	[tilespmem:$0x1C400] =	vst v63  }
0x79: {  	s9 =	rddreg [dreg:$0x15]  }
0x7a: {  	[tilespmem:s9], [sflag:$0x1] =	stream.indirect_vreg.gather [hbm4b:s7+s4], $0x80, v3, vm0, $0xb8;
	[tilespmem:$0x1C400] =	vst v63  }
0x7b: {  	s14 =	rddreg [dreg:$0x16]  }
0x7c: {  	[tilespmem:s14], [sflag:$0x1] =	stream.indirect_vreg.gather [hbm4b:s8+s4], $0x80, v3, vm0, $0xb8;
	[tilespmem:$0x1C400] =	vst v63  }
0x7d: {  	v3 =	vld [tilespmem:s6+$0xFFFFFFF0];
	_ =	sdelay $0x4  }
0x7e: {  	v59 =	vshrl.u32 v3, $0x3  }
0x7f: {  	v4 =	vmul.u32 $0x30, v59  }
0x80: {  	v3 =	vand.u32 $0x7, v3  }
0x81: {  	v3 =	vor.u32 v3, v4  }
0x82: {  	v4 =	vperm.xlane v3, v0;
	_ =	sdelay $0x1  }
0x83: {  	v4 =	vadd.s32 v1, v4;
	_ =	sdelay $0x3  }
0x84: {  	s9 =	rddreg [dreg:$0x17];
	v3 =	vperm.xlane v3, v2  }
0x85: {  	[tilespmem:s9], [sflag:$0x1] =	stream.indirect_vreg.gather [hbm4b:s0+s4], $0x80, v4, vm0, $0xb8;
	[tilespmem:$0x1C400] =	vst v63  }
0x86: {  	s14 =	rddreg [dreg:$0x18];
	v3 =	vadd.s32 v1, v3  }
0x87: {  	[tilespmem:s14], [sflag:$0x1] =	stream.indirect_vreg.gather [hbm4b:s7+s4], $0x80, v4, vm0, $0xb8;
	[tilespmem:$0x1C400] =	vst v63  }
0x88: {  	s9 =	rddreg [dreg:$0x19]  }
0x89: {  	[tilespmem:s9], [sflag:$0x1] =	stream.indirect_vreg.gather [hbm4b:s8+s4], $0x80, v4, vm0, $0xb8;
	[tilespmem:$0x1C400] =	vst v63  }
0x8a: {  	s14 =	rddreg [dreg:$0x1a]  }
0x8b: {  	[tilespmem:s14], [sflag:$0x1] =	stream.indirect_vreg.gather [hbm4b:s0+s4], $0x80, v3, vm0, $0xb8;
	[tilespmem:$0x1C400] =	vst v63  }
0x8c: {  	s9 =	rddreg [dreg:$0x1b]  }
0x8d: {  	[tilespmem:s9], [sflag:$0x1] =	stream.indirect_vreg.gather [hbm4b:s7+s4], $0x80, v3, vm0, $0xb8;
	[tilespmem:$0x1C400] =	vst v63  }
0x8e: {  	s14 =	rddreg [dreg:$0x1c]  }
0x8f: {  	[tilespmem:s14], [sflag:$0x1] =	stream.indirect_vreg.gather [hbm4b:s8+s4], $0x80, v3, vm0, $0xb8;
	[tilespmem:$0x1C400] =	vst v63  }
0x90: {  	v3 =	vld [tilespmem:s6+$0x0];
	_ =	sdelay $0x4  }
0x91: {  	v60 =	vshrl.u32 v3, $0x3  }
0x92: {  	v4 =	vmul.u32 $0x30, v60  }
0x93: {  	v3 =	vand.u32 $0x7, v3  }
0x94: {  	v3 =	vor.u32 v3, v4  }
0x95: {  	v4 =	vperm.xlane v3, v0;
	_ =	sdelay $0x1  }
0x96: {  	v4 =	vadd.s32 v1, v4;
	_ =	sdelay $0x2  }
0x97: {  	s9 =	rddreg [dreg:$0x1d]  }
0x98: {  	s14 =	rddreg [dreg:$0x1e];
	v3 =	vperm.xlane v3, v2  }
0x99: {  	[tilespmem:s9], [sflag:$0x1] =	stream.indirect_vreg.gather [hbm4b:s0+s4], $0x80, v4, vm0, $0xb8;
	[tilespmem:$0x1C400] =	vst v63  }
0x9a: {  	v3 =	vadd.s32 v1, v3;
	s9 =	rddreg [dreg:$0x1f]  }
0x9b: {  	[tilespmem:s14], [sflag:$0x1] =	stream.indirect_vreg.gather [hbm4b:s7+s4], $0x80, v4, vm0, $0xb8;
	[tilespmem:$0x1C400] =	vst v63  }
0x9c: {  	s14 =	sld [smem:$0x7FD]  }
0x9d: {  	[tilespmem:s9], [sflag:$0x1] =	stream.indirect_vreg.gather [hbm4b:s8+s4], $0x80, v4, vm0, $0xb8;
	[tilespmem:$0x1C400] =	vst v63  }
0x9e: {  	_ = 	snop  }
0x9f: {  	[tilespmem:s14], [sflag:$0x1] =	stream.indirect_vreg.gather [hbm4b:s0+s4], $0x80, v3, vm0, $0xb8;
	[tilespmem:$0x1C400] =	vst v63  }
0xa0: {  	_ = 	snop  }
0xa1: {  	[tilespmem:s16], [sflag:$0x1] =	stream.indirect_vreg.gather [hbm4b:s7+s4], $0x80, v3, vm0, $0xb8;
	[tilespmem:$0x1C400] =	vst v63  }
0xa2: {  	_ = 	snop  }
0xa3: {  	[tilespmem:s17], [sflag:$0x1] =	stream.indirect_vreg.gather [hbm4b:s8+s4], $0x80, v3, vm0, $0xb8;
	[tilespmem:$0x1C400] =	vst v63  }
0xa4: {  	v3 =	vld [tilespmem:s6+$0x10];
	_ =	sdelay $0x4  }
0xa5: {  	v61 =	vshrl.u32 v3, $0x3  }
0xa6: {  	v4 =	vmul.u32 $0x30, v61  }
0xa7: {  	v3 =	vand.u32 $0x7, v3  }
0xa8: {  	v3 =	vor.u32 v3, v4  }
0xa9: {  	v4 =	vperm.xlane v3, v0;
	_ =	sdelay $0x1  }
0xaa: {  	v4 =	vadd.s32 v1, v4;
	_ =	sdelay $0x3  }
0xab: {  	v3 =	vperm.xlane v3, v2  }
0xac: {  	[tilespmem:s18], [sflag:$0x1] =	stream.indirect_vreg.gather [hbm4b:s0+s4], $0x80, v4, vm0, $0xb8;
	[tilespmem:$0x1C400] =	vst v63  }
0xad: {  	v3 =	vadd.s32 v1, v3  }
0xae: {  	[tilespmem:s19], [sflag:$0x1] =	stream.indirect_vreg.gather [hbm4b:s7+s4], $0x80, v4, vm0, $0xb8;
	[tilespmem:$0x1C400] =	vst v63  }
0xaf: {  	_ = 	snop  }
0xb0: {  	[tilespmem:s20], [sflag:$0x1] =	stream.indirect_vreg.gather [hbm4b:s8+s4], $0x80, v4, vm0, $0xb8;
	[tilespmem:$0x1C400] =	vst v63  }
0xb1: {  	_ = 	snop  }
0xb2: {  	[tilespmem:s21], [sflag:$0x1] =	stream.indirect_vreg.gather [hbm4b:s0+s4], $0x80, v3, vm0, $0xb8;
	[tilespmem:$0x1C400] =	vst v63  }
0xb3: {  	_ = 	snop  }
0xb4: {  	[tilespmem:s22], [sflag:$0x1] =	stream.indirect_vreg.gather [hbm4b:s7+s4], $0x80, v3, vm0, $0xb8;
	[tilespmem:$0x1C400] =	vst v63  }
0xb5: {  	_ = 	snop  }
0xb6: {  	[tilespmem:s23], [sflag:$0x1] =	stream.indirect_vreg.gather [hbm4b:s8+s4], $0x80, v3, vm0, $0xb8;
	[tilespmem:$0x1C400] =	vst v63  }
0xb7: {  	v3 =	vld [tilespmem:s6+$0x20];
	_ =	sdelay $0x4  }
0xb8: {  	v62 =	vshrl.u32 v3, $0x3  }
0xb9: {  	v4 =	vmul.u32 $0x30, v62  }
0xba: {  	v3 =	vand.u32 $0x7, v3  }
0xbb: {  	v3 =	vor.u32 v3, v4  }
0xbc: {  	v4 =	vperm.xlane v3, v0;
	_ =	sdelay $0x1  }
0xbd: {  	v4 =	vadd.s32 v1, v4;
	_ =	sdelay $0x3  }
0xbe: {  	v3 =	vperm.xlane v3, v2  }
0xbf: {  	[tilespmem:s24], [sflag:$0x1] =	stream.indirect_vreg.gather [hbm4b:s0+s4], $0x80, v4, vm0, $0xb8;
	[tilespmem:$0x1C400] =	vst v63  }
0xc0: {  	v3 =	vadd.s32 v1, v3  }
0xc1: {  	[tilespmem:s25], [sflag:$0x1] =	stream.indirect_vreg.gather [hbm4b:s7+s4], $0x80, v4, vm0, $0xb8;
	[tilespmem:$0x1C400] =	vst v63  }
0xc2: {  	_ = 	snop  }
0xc3: {  	[tilespmem:s26], [sflag:$0x1] =	stream.indirect_vreg.gather [hbm4b:s8+s4], $0x80, v4, vm0, $0xb8;
	[tilespmem:$0x1C400] =	vst v63  }
0xc4: {  	_ = 	snop  }
0xc5: {  	[tilespmem:s28], [sflag:$0x1] =	stream.indirect_vreg.gather [hbm4b:s0+s4], $0x80, v3, vm0, $0xb8;
	[tilespmem:$0x1C400] =	vst v63  }
0xc6: {  	_ = 	snop  }
0xc7: {  	[tilespmem:s29], [sflag:$0x1] =	stream.indirect_vreg.gather [hbm4b:s7+s4], $0x80, v3, vm0, $0xb8;
	[tilespmem:$0x1C400] =	vst v63  }
0xc8: {  	_ = 	snop  }
0xc9: {  	[tilespmem:s30], [sflag:$0x1] =	stream.indirect_vreg.gather [hbm4b:s8+s4], $0x80, v3, vm0, $0xb8;
	[tilespmem:$0x1C400] =	vst v63  }
0xca: {  	v3 =	vld [tilespmem:s6+$0x30];
	_ =	sdelay $0x4  }
0xcb: {  	v63 =	vshrl.u32 v3, $0x3  }
0xcc: {  	v4 =	vmul.u32 $0x30, v63  }
0xcd: {  	v3 =	vand.u32 $0x7, v3  }
0xce: {  	v3 =	vor.u32 v3, v4  }
0xcf: {  	v4 =	vperm.xlane v3, v0;
	_ =	sdelay $0x1  }
0xd0: {  	v4 =	vadd.s32 v1, v4;
	_ =	sdelay $0x3  }
0xd1: {  	v3 =	vperm.xlane v3, v2  }
0xd2: {  	[tilespmem:s31], [sflag:$0x1] =	stream.indirect_vreg.gather [hbm4b:s0+s4], $0x80, v4, vm0, $0xb8;
	[tilespmem:$0x1C400] =	vst v63  }
0xd3: {  	v3 =	vadd.s32 v1, v3  }
0xd4: {  	[tilespmem:s2], [sflag:$0x1] =	stream.indirect_vreg.gather [hbm4b:s7+s4], $0x80, v4, vm0, $0xb8;
	[tilespmem:$0x1C400] =	vst v63  }
0xd5: {  	_ = 	snop  }
0xd6: {  	[tilespmem:s3], [sflag:$0x1] =	stream.indirect_vreg.gather [hbm4b:s8+s4], $0x80, v4, vm0, $0xb8;
	[tilespmem:$0x1C400] =	vst v63  }
0xd7: {  	_ = 	snop  }
0xd8: {  	[tilespmem:s1], [sflag:$0x1] =	stream.indirect_vreg.gather [hbm4b:s0+s4], $0x80, v3, vm0, $0xb8;
	[tilespmem:$0x1C400] =	vst v63  }
0xd9: {  	_ = 	snop  }
0xda: {  	[tilespmem:s10], [sflag:$0x1] =	stream.indirect_vreg.gather [hbm4b:s7+s4], $0x80, v3, vm0, $0xb8;
	[tilespmem:$0x1C400] =	vst v63  }
0xdb: {  	_ = 	snop  }
0xdc: {  	[tilespmem:s11], [sflag:$0x1] =	stream.indirect_vreg.gather [hbm4b:s8+s4], $0x80, v3, vm0, $0xb8;
	[tilespmem:$0x1C400] =	vst v63  }
0xdd: {  	_ =	swait.ge [sflag:s12], $0x18000  }
0xde: {  	p0 =	sne.s32 s5, $0x9000;
	s14 =	rddreg [dreg:$0x5];
	[sflag:s12] =	ssyncset.done $0x0  }
.Ltmp1:
0xdf: {  	[sflag:s12] =	ssyncadd.s32 $0xFFFE8000;
	s9 =	sadd.s32 s5, s14;
	(pc) =	sbr.rel @p0 .LBB2_4-.Ltmp1, $4  }
0xe0: {  	[hbm4b:s9+s4] =	stream.linear.scatter [tilespmem:s15], [sflag:$0x1], $0x18000, $0x38;
	[tilespmem:$0x1C400] =	vst v63  }
0xe1: {  	_ =	swait.ge [sflag:s12], $0x18000  }
0xe2: {  	[sflag:s12] =	ssyncset.done $0x0  }
0xe3: {  	s6 =	sadd.s32 $0x80, s6;
	s5 =	sadd.s32 $0x3000, s5;
	[sflag:s12] =	ssyncadd.s32 $0xFFFE8000  }
0xe4: {  	s6 =	sld [smem:$0x7F9]  }
0xe5: {  	s5 =	sld [smem:$0x7FC];
	_ =	sdelay $0x1  }
0xe6: {  	s6 =	sadd.s32 $0x1, s6  }
0xe7: {  	p0 =	sne.s32 s6, s5  }
.Ltmp2:
0xe8: {  	_ = 	snop;
	(pc) =	sbr.rel @p0 .LBB2_1-.Ltmp2, $1  }
0xe9: {  	_ =	sdelay $0x3  }
0xea: {  	_ =	sfence.sel $0x180000  }
0xeb: {  	[bflag:$0x0] =	sbarrier.arrive $0xFFFF  }
0xec: {  	_ =	strace $0x9000004A  }
0xed: {  	s0 =	stileid.u32;
	[bflag:$0x2] =	sbarrier.arrive $0xFFFF  }
0xee: {  	p0 =	sne.s32 s0, $0x0;
	s0 =	rddreg [dreg:$0x4]  }
0xef: {  	s0 =	sadd.s32 @!p0 $0x100000, s0  }
0xf0: {  	[sflag:s0] =	ssyncadd.tile.s32 @!p0 $0x1;
	_ =	shalt  }
.Lfunc_end2:
_tile_overlayer_lowered:
.L_overlay_start_2:
0xf1: {  	(tag) =	ssettag $0x2  }
0xf2: {  	s0 =	rddreg [dreg:$0x0];
	s2 =	stileid.u32  }
0xf3: {  	s1 =	rddreg [dreg:$0x1];
	p0 =	sne.s32 s2, $0x0  }
0xf4: {  	s3 =	rddreg [dreg:$0x2];
	[bflag:$0x3] =	sbarrier.arrive $0xFFFF;
	s2 =	simm.s32 @!p0 $0x1C01  }
0xf5: {  	[timem:s3], [sflag:s2] =	dma.local @!p0 [hbm:s0], s1  }
0xf6: {  	s0 =	simm.s32 @!p0 $0x1  }
0xf7: {  	_ =	swait.ge @!p0 [sflag:s0], s1  }
0xf8: {  	s1 =	ssub.s32 @!p0 $0x0, s1;
	[sflag:s0] =	ssyncset.done @!p0 $0x0  }
0xf9: {  	[sflag:s0] =	ssyncadd.s32 @!p0 s1  }
0xfa: {  	[bflag:$0x3] =	sbarrier.arrive $0xFFFF  }
0xfb: {  	_ =	shalt  }

// kernel: kernel.8.cloned.1.call-start
scs
__scs_entry_jumppad:
0x0: {  	(pc) =	sbr.rel $0x88, $3  }
0x1: {  	(tag) =	ssettag $0x0;
	lr =	simm.s32 $0x1  }
0x2: {  	[smem:$0x3F9C] =	sst lr;
	_ =	strace $0xD0000000  }
0x3: {  	_ = 	snop  }
0x4: {  	_ = 	snop  }
0x5: {  	_ = 	snop  }
0x6: {  	_ = 	snop  }
0x7: {  	_ = 	snop  }
__scs_overlays_trampoline_lowered:
0x8: {  	[smem:$0x3FAB] =	sst s0  }
0x9: {  	[smem:$0x3FAC] =	sst s1  }
0xa: {  	[smem:$0x3FAD] =	sst s2  }
0xb: {  	[smem:$0x3FAE] =	sst s3  }
0xc: {  	[smem:$0x3FAF] =	sst s4  }
0xd: {  	[smem:$0x3FB0] =	sst s5  }
0xe: {  	[smem:$0x3FB1] =	sst s6  }
0xf: {  	[smem:$0x3FB2] =	sst s7  }
0x10: {  	[smem:$0x3FB3] =	sst s8  }
0x11: {  	[smem:$0x3FB4] =	sst s9;
	s0 =	simm.s32 @!p0 $0x0  }
0x12: {  	s1 =	sld [smem:$0x3F9A];
	s0 =	simm.s32 @p0 $0x1  }
0x13: {  	[smem:$0x3FB5] =	sst s0;
	s0 =	simm.s32 @!p1 $0x0  }
0x14: {  	s2 =	sld [smem:$0x3F99];
	s0 =	simm.s32 @p1 $0x1  }
0x15: {  	[smem:$0x3FB6] =	sst s0;
	s0 =	simm.s32 @!p2 $0x0  }
0x16: {  	s3 =	sld [smem:$0x3FDB];
	s0 =	simm.s32 @p2 $0x1  }
0x17: {  	s4 =	simm.s32 $0x1BF5;
	[smem:$0x3FB8] =	sst s0  }
0x18: {  	s0 =	sld [smem:$0x3F9B];
	_ =	swait.ge [sflag:s4], $0x0  }
0x19: {  	s7 =	sld [smem:$0x3F9C]  }
0x1a: {  	s8 =	sadd.s32 $0xFFFFE003, lr  }
0x1b: {  	s9 =	sadd.s32 $0xFFFFFEF7, lr;
	s5 =	simm.s32 $0xFFFFFFFF;
	p2 =	slt.u32 s8, $0xFFFFF086  }
0x1c: {  	p1 =	slt.u32 s9, $0xF7A;
	s5 =	simm.s32 @!p2 $0x0  }
0x1d: {  	s5 =	simm.s32 @p1 $0x1;
	p0 =	seq.s32 s7, s2  }
0x1e: {  	s7 =	smul.u32 @!p0 $0xF7A, s2;
	p2 =	seq.s32 @!p0 s5, $0x0  }
0x1f: {  	s9 =	smul.u32 $0xF7A, s1;
	s8 =	simm.s32 @!p0 $0x1BF5;
	p2 =	por !p2, p0  }
0x20: {  	[sflag:s8] =	ssyncset.s32 @!p0 $0xFFFFF086;
	s6 =	sadd.s32 @!p0 s3, s7;
	s7 =	simm.s32 @!p0 $0x108  }
0x21: {  	s3 =	sadd.s32 s3, s9;
	s6 =	sadd.s32 @!p0 $0x88, s6;
	s7 =	simm.s32 @p2 $0x1082  }
0x22: {  	[simem:s7], [sflag:s8] =	dma.local @!p0 [hbm:s6], $0xF7A  }
0x23: {  	s9 =	sor.u32 $0xD0000000, s2;
	s6 =	simm.s32 $0x108;
	_ =	swait.ge @!p0 [sflag:s8], $0x0  }
0x24: {  	s3 =	sadd.s32 $0x88, s3;
	s6 =	simm.s32 @!p1 $0x1082;
	[sflag:s4] =	ssyncset.s32 $0xFFFFF086  }
0x25: {  	[simem:s6], [sflag:s4] =	dma.local [hbm:s3], $0xF7A  }
0x26: {  	[smem:$0x3F9C] =	sst s1;
	(tag) =	ssettag s2;
	_ =	strace s9  }
0x27: {  	s1 =	sld [smem:$0x3FAC]  }
0x28: {  	s2 =	sld [smem:$0x3FAD]  }
0x29: {  	s4 =	sld [smem:$0x3FAF]  }
0x2a: {  	p0 =	seq.s32 s5, $0x0;
	s5 =	sld [smem:$0x3FB0]  }
0x2b: {  	s6 =	sld [smem:$0x3FB1]  }
0x2c: {  	s7 =	sld [smem:$0x3FB2]  }
0x2d: {  	s3 =	simm.s32 $0x108;
	s8 =	sld [smem:$0x3FB3]  }
0x2e: {  	s3 =	simm.s32 @!p0 $0x1082;
	s9 =	sld [smem:$0x3FB4]  }
0x2f: {  	lr =	sadd.s32 s0, s3;
	s0 =	sld [smem:$0x3FAB]  }
0x30: {  	s3 =	sld [smem:$0x3FAE]  }
0x31: {  	[smem:$0x3FB7] =	sst s10  }
0x32: {  	s10 =	sld [smem:$0x3FB5];
	_ =	sdelay $0x3  }
0x33: {  	p0 =	seq.s32 s10, $0x1;
	s10 =	sld [smem:$0x3FB7];
	_ =	sdelay $0x3  }
0x34: {  	[smem:$0x3FB7] =	sst s10  }
0x35: {  	s10 =	sld [smem:$0x3FB6];
	_ =	sdelay $0x3  }
0x36: {  	p1 =	seq.s32 s10, $0x1;
	s10 =	sld [smem:$0x3FB7];
	_ =	sdelay $0x3  }
0x37: {  	[smem:$0x3FB7] =	sst s10  }
0x38: {  	s10 =	sld [smem:$0x3FB8]  }
0x39: {  	_ = 	snop;
	(pc) =	sbr.ind lr, $3  }
0x3a: {  	_ = 	snop  }
0x3b: {  	_ = 	snop  }
0x3c: {  	p2 =	seq.s32 s10, $0x1;
	s10 =	sld [smem:$0x3FB7]  }
0x3d: {  	_ =	shalt  }
0x3e: {  	_ =	shalt  }
0x3f: {  	_ =	shalt  }
0x40: {  	_ =	shalt  }
0x41: {  	_ =	shalt  }
0x42: {  	_ =	shalt  }
0x43: {  	_ =	shalt  }
0x44: {  	_ =	shalt  }
0x45: {  	_ =	shalt  }
0x46: {  	_ =	shalt  }
0x47: {  	_ =	shalt  }
0x48: {  	_ =	shalt  }
0x49: {  	_ =	shalt  }
0x4a: {  	_ =	shalt  }
0x4b: {  	_ =	shalt  }
0x4c: {  	_ =	shalt  }
0x4d: {  	_ =	shalt  }
0x4e: {  	_ =	shalt  }
0x4f: {  	_ =	shalt  }
0x50: {  	_ =	shalt  }
0x51: {  	_ =	shalt  }
0x52: {  	_ =	shalt  }
0x53: {  	_ =	shalt  }
0x54: {  	_ =	shalt  }
0x55: {  	_ =	shalt  }
0x56: {  	_ =	shalt  }
0x57: {  	_ =	shalt  }
0x58: {  	_ =	shalt  }
0x59: {  	_ =	shalt  }
0x5a: {  	_ =	shalt  }
0x5b: {  	_ =	shalt  }
0x5c: {  	_ =	shalt  }
0x5d: {  	_ =	shalt  }
0x5e: {  	_ =	shalt  }
0x5f: {  	_ =	shalt  }
0x60: {  	_ =	shalt  }
0x61: {  	_ =	shalt  }
0x62: {  	_ =	shalt  }
0x63: {  	_ =	shalt  }
0x64: {  	_ =	shalt  }
0x65: {  	_ =	shalt  }
0x66: {  	_ =	shalt  }
0x67: {  	_ =	shalt  }
0x68: {  	_ =	shalt  }
0x69: {  	_ =	shalt  }
0x6a: {  	_ =	shalt  }
0x6b: {  	_ =	shalt  }
0x6c: {  	_ =	shalt  }
0x6d: {  	_ =	shalt  }
0x6e: {  	_ =	shalt  }
0x6f: {  	_ =	shalt  }
0x70: {  	_ =	shalt  }
0x71: {  	_ =	shalt  }
0x72: {  	_ =	shalt  }
0x73: {  	_ =	shalt  }
0x74: {  	_ =	shalt  }
0x75: {  	_ =	shalt  }
0x76: {  	_ =	shalt  }
0x77: {  	_ =	shalt  }
0x78: {  	_ =	shalt  }
0x79: {  	_ =	shalt  }
0x7a: {  	_ =	shalt  }
0x7b: {  	_ =	shalt  }
0x7c: {  	_ =	shalt  }
0x7d: {  	_ =	shalt  }
0x7e: {  	_ =	shalt  }
0x7f: {  	_ =	shalt  }
0x80: {  	_ =	shalt  }
0x81: {  	_ =	shalt  }
0x82: {  	_ =	shalt  }
0x83: {  	_ =	shalt  }
0x84: {  	_ =	shalt  }
0x85: {  	_ =	shalt  }
0x86: {  	_ =	shalt  }
0x87: {  	_ =	shalt  }
.Lfunc_end0:
.L_simem_size_0:
called_computation.2_lowered:
.L_overlay_start_0:
0x88: {  	s2 =	sld [smem:$0x3FD9]  }
0x89: {  	s3 =	sld [smem:$0x3FFE];
	_ =	sdelay $0x1  }
0x8a: {  	s1 =	srdreg.scid  }
0x8b: {  	s0 =	sand.u32 $0x1, s1  }
0x8c: {  	s17 =	sshll.u32 s0, $0xA;
	s2 =	sadd.s32 s3, s2  }
0x8d: {  	s2 =	sadd.s32 s2, s17  }
0x8e: {  	[smem:$0x3FC3] =	sst s2  }
0x8f: {  	_ = 	snop  }
0x90: {  	s2 =	sld [smem:$0x3FD0];
	(tm) =	ssettm $0x1  }
0x91: {  	s18 =	sld [smem:$0x3FFB];
	_ =	sdelay $0x3  }
0x92: {  	_ =	strace s18  }
0x93: {  	s3 =	sld [smem:$0x3FFC];
	_ =	sdelay $0x3  }
0x94: {  	_ =	strace s3  }
0x95: {  	s3 =	sld [smem:$0x3FFD];
	_ =	sdelay $0x3  }
0x96: {  	_ =	strace s3  }
0x97: {  	_ =	strace $0x8FFFFFFF  }
0x98: {  	s19 =	sld [smem:$0x3FDB];
	_ =	sdelay $0x1  }
0x99: {  	s4 =	simm.s32 $_scs_section_size  }
0x9a: {  	s5 =	simm.s32 $_size__tile_overlayer_lowered;
	s6 =	simm.s32 $_tile_overlayer_lowered  }
0x9b: {  	s22 =	simm.s32 $0x1BFF;
	s21 =	sshll.u32 s6, $0x1;
	s3 =	sadd.s32 s4, s19  }
0x9c: {  	s7 =	simm.s32 $0x0;
	s20 =	sshll.u32 s5, $0x1;
	s5 =	sadd.s32 s21, s3  }
0x9d: {  	[timem:s7], [sflag:s22] =	dma.local [hbm:s5], s20  }
0x9e: {  	_ =	swait.ge [sflag:s22], s20  }
0x9f: {  	s4 =	ssub.s32 $0x0, s20;
	[sflag:s22] =	ssyncset.done $0x0  }
0xa0: {  	[sflag:s22] =	ssyncadd.s32 s4;
	_ =	sdelay $0x1  }
0xa1: {  	s23 =	simm.s32 $0x1B8B  }
0xa2: {  	_ =	swait.ge [sflag:s23], $0x1  }
0xa3: {  	[sflag:s23] =	ssyncset.done $0x0  }
0xa4: {  	s25 =	simm.s32 $0x1B8E;
	s24 =	sld [smem:$0x3FFE];
	[sflag:s23] =	ssyncadd.s32 $0xFFFFFFFF  }
0xa5: {  	s26 =	simm.s32 $execute0_lowered;
	[smem:$0x3FD2] =	sst s25  }
0xa6: {  	s5 =	sshll.u32 s26, $0x1;
	_ =	strace $0x8000004C;
	[dreg:$0x1] =	wrdreg $0xFFFFFFFF  }
0xa7: {  	s28 =	simm.s32 $_size_execute0_lowered;
	s3 =	sadd.s32 s3, s5;
	[dreg:$0x0] =	wrdreg $0x0  }
0xa8: {  	s5 =	sshll.u32 s28, $0x1;
	[dreg:$0x2] =	wrdreg s3  }
0xa9: {  	[dreg:$0x3] =	wrdreg s5  }
0xaa: {  	[dreg:$0x4] =	wrdreg $0xC0  }
0xab: {  	_ =	task [dreg:s7], $0x5FFFF  }
0xac: {  	[dreg:$0x1] =	wrdreg $0xFFFFFFFF  }
0xad: {  	[dreg:$0x0] =	wrdreg $0x60  }
0xae: {  	[dreg:$0x2] =	wrdreg s24  }
0xaf: {  	[dreg:$0x3] =	wrdreg s2  }
0xb0: {  	[dreg:$0x4] =	wrdreg $0x9  }
0xb1: {  	_ =	task.clear_ibuf [dreg:s7], $0x5FFFF;
	_ =	strace $0x9000004C  }
0xb2: {  	s29 =	simm.s32 $0x9;
	_ =	strace $0x8000004E  }
0xb3: {  	_ =	swait.ge [sflag:s29], $0x1  }
0xb4: {  	[sflag:s29] =	ssyncadd.s32 $0xFFFFFFFF  }
0xb5: {  	_ =	strace $0x9000004E  }
0xb6: {  	_ =	sfence  }
0xb7: {  	s30 =	sld [smem:$0x0];
	_ =	sdelay $0x2  }
0xb8: {  	s31 =	sshll.u32 s1, $0xD;
	s1 =	sshrl.u32 s1, $0x2  }
0xb9: {  	s3 =	sand.u32 $0x4000, s31;
	s1 =	sadd.s32 s1, s30  }
0xba: {  	s0 =	sor.u32 s3, s0;
	s1 =	sshll.u32 s1, $0x11  }
0xbb: {  	s0 =	sor.u32 s1, s0  }
0xbc: {  	s0 =	sadd.s32 $0x8F2B, s0  }
0xbd: {  	[sflag:s0] =	ssyncadd.remote.s32 $0x1  }
0xbe: {  	_ =	sfence.sel $0xFFFF  }
0xbf: {  	[dreg:$0x0] =	wrdreg $0xFFFFFFFF;
	(pc) =	sbr.abs _section_cstart, $3  }
0xc0: {  	[dreg:$0x1] =	wrdreg $0xFFFFFFFF  }
0xc1: {  	_ =	task.clear_ibuf [dreg:s7], $0x2FFFF;
	_ =	strace $0x9FFFFFFF  }
0xc2: {  	(tm) =	ssettm $0x7FFFFFFF  }
0xc3: {  	_ =	shalt  }
tec
execute0_lowered:
.L_overlay_start_1:
0x0: {  	(tag) =	ssettag $0x1  }
0x1: {  	s0 =	srdreg.scid;
	s2 =	stileid.u32  }
0x2: {  	s4 =	rddreg [dreg:$0x0];
	s3 =	simm.s32 $0x0;
	s0 =	sand.u32 $0x1, s0  }
0x3: {  	s2 =	sshll.u32 s2, $0x9;
	[smem:$0x7FF] =	sst s3;
	s1 =	sshll.u32 s0, $0xD  }
0x4: {  	s20 =	simm.s32 $0xA00;
	s1 =	sor.u32 s2, s1;
	s2 =	rddreg [dreg:$0x1]  }
0x5: {  	s21 =	simm.s32 $0x1200;
	_ =	strace $0x8000004D;
	[dreg:$0x4] =	wrdreg s20  }
0x6: {  	s22 =	simm.s32 $0x1A00;
	[dreg:$0x5] =	wrdreg s21  }
0x7: {  	s23 =	simm.s32 $0x2200;
	[dreg:$0x6] =	wrdreg s22  }
0x8: {  	s24 =	simm.s32 $0x2A00;
	[dreg:$0x7] =	wrdreg s23  }
0x9: {  	s25 =	simm.s32 $0x3200;
	[dreg:$0x8] =	wrdreg s24  }
0xa: {  	s26 =	simm.s32 $0x3A00;
	[dreg:$0x9] =	wrdreg s25  }
0xb: {  	s6 =	simm.s32 $0x4200;
	[dreg:$0xa] =	wrdreg s26  }
0xc: {  	s7 =	simm.s32 $0x4A00;
	[dreg:$0xb] =	wrdreg s6  }
0xd: {  	s8 =	simm.s32 $0x5200;
	[dreg:$0xc] =	wrdreg s7  }
0xe: {  	s9 =	simm.s32 $0x5A00;
	[dreg:$0xd] =	wrdreg s8  }
0xf: {  	s10 =	simm.s32 $0x6200;
	[dreg:$0xe] =	wrdreg s9  }
0x10: {  	s11 =	simm.s32 $0x6A00;
	[dreg:$0xf] =	wrdreg s10  }
0x11: {  	s12 =	simm.s32 $0x7200;
	[dreg:$0x10] =	wrdreg s11  }
0x12: {  	s13 =	simm.s32 $0x7A00;
	[dreg:$0x11] =	wrdreg s12  }
0x13: {  	s14 =	simm.s32 $0x8200;
	s15 =	simm.s32 $0x8A00;
	[dreg:$0x12] =	wrdreg s13  }
0x14: {  	s16 =	simm.s32 $0x9200;
	s17 =	simm.s32 $0x9A00;
	[dreg:$0x13] =	wrdreg s14  }
0x15: {  	s18 =	simm.s32 $0xA200;
	s19 =	simm.s32 $0xAA00;
	[dreg:$0x14] =	wrdreg s15  }
0x16: {  	s28 =	simm.s32 $0x16A00;
	s29 =	simm.s32 $0x17200;
	[dreg:$0x15] =	wrdreg s16  }
0x17: {  	s30 =	simm.s32 $0x17A00;
	s0 =	ssub.s32 $0x2, s0;
	[dreg:$0x16] =	wrdreg s17  }
0x18: {  	s31 =	simm.s32 $0x0;
	[dreg:$0x17] =	wrdreg s18;
	s20 =	sshrl.u32 s0, $0x1  }
0x19: {  	[dreg:$0x18] =	wrdreg s19;
	s21 =	simm.s32 $0xB200;
	s22 =	simm.s32 $0xBA00  }
0x1a: {  	s23 =	simm.s32 $0xC200;
	s24 =	simm.s32 $0xCA00;
	s25 =	simm.s32 $0xD200  }
0x1b: {  	s26 =	simm.s32 $0xDA00;
	s8 =	simm.s32 $0x1;
	s9 =	simm.s32 $0x200  }
0x1c: {  	s10 =	simm.s32 $0xE200;
	s11 =	simm.s32 $0xEA00;
	s12 =	simm.s32 $0xF200  }
0x1d: {  	s13 =	simm.s32 $0xFA00;
	s14 =	simm.s32 $0x10200;
	[dreg:$0x19] =	wrdreg s21  }
0x1e: {  	s15 =	simm.s32 $0x10A00;
	s16 =	simm.s32 $0x11200;
	[dreg:$0x1a] =	wrdreg s22  }
0x1f: {  	s17 =	simm.s32 $0x11A00;
	s18 =	simm.s32 $0x12200;
	[dreg:$0x1b] =	wrdreg s23  }
0x20: {  	s19 =	simm.s32 $0x12A00;
	s1 =	sshrl.u32 s1, $0x3;
	[dreg:$0x1c] =	wrdreg s24  }
0x21: {  	s0 =	ssub.s32 s0, s20;
	s6 =	sadd.s32 $0x200, s2;
	[dreg:$0x1d] =	wrdreg s25  }
0x22: {  	[dreg:$0x1e] =	wrdreg s26;
	s20 =	simm.s32 $0x13200;
	s21 =	simm.s32 $0x13A00  }
0x23: {  	s22 =	simm.s32 $0x14200;
	s23 =	simm.s32 $0x14A00;
	s5 =	smul.u32 $0x300, s1  }
0x24: {  	s24 =	simm.s32 $0x15200;
	s1 =	sadd.s32 s1, s4;
	s0 =	smax.u32 s0, $0x1  }
0x25: {  	v2 =	vlaneseq.u32;
	s1 =	sadd.s32 $0x200, s1;
	[smem:$0x7FD] =	sst s0;
	s5 =	sadd.s32 s5, s4  }
0x26: {  	vm0 =	vmmov $0xffff;
	v1 =	vshrl.u32 v2, $0x3;
	s25 =	simm.s32 $0x15A00;
	[dreg:$0x1f] =	wrdreg s1;
	s5 =	sadd.s32 $0xA00, s5  }
0x27: {  	v0 =	vand.u32 $0x7, v2;
	v2 =	vor.u32 $0x8, v2;
	v1 =	vmul.u32 $0x8, v1;
	s26 =	simm.s32 $0x16200;
	[dreg:$0x3] =	wrdreg s5;
	s5 =	sadd.s32 $0x100, s2  }
.LBB2_1:
0x28: {  	s0 =	rddreg [dreg:$0x1f]  }
0x29: {  	[tilespmem:s3], [sflag:$0x1] =	stream.linear.gather [hbm4b:s0+s3], $0x200, $0x38;
	[tilespmem:$0x18200] =	vst v63  }
0x2a: {  	_ =	swait.ge [sflag:s8], $0x200  }
0x2b: {  	[sflag:s8] =	ssyncset.done $0x0  }
0x2c: {  	s1 =	simm.s32 $0x40;
	s0 =	simm.s32 $0x0;
	[sflag:s8] =	ssyncadd.s32 $0xFFFFFE00  }
.LBB2_2:
0x2d: {  	s4 =	rddreg [dreg:$0x3]  }
0x2e: {  	s4 =	sadd.s32 s0, s4  }
0x2f: {  	[tilespmem:s9], [sflag:$0x1] =	stream.linear.gather [hbm4b:s4+s3], $0x18000, $0x38;
	[tilespmem:$0x18200] =	vst v63  }
0x30: {  	_ =	swait.ge [sflag:s8], $0x18000  }
0x31: {  	[sflag:s8] =	ssyncset.done $0x0  }
0x32: {  	[sflag:s8] =	ssyncadd.s32 $0xFFFE8000  }
0x33: {  	v3 =	vld [tilespmem:s1+$0xFFFFFFC0];
	_ =	sdelay $0x4  }
0x34: {  	v4 =	vshrl.u32 v3, $0x3  }
0x35: {  	v4 =	vmul.u32 $0x30, v4  }
0x36: {  	v3 =	vand.u32 $0x7, v3  }
0x37: {  	v3 =	vor.u32 v3, v4  }
0x38: {  	v4 =	vperm.xlane v3, v0;
	_ =	sdelay $0x1  }
0x39: {  	v4 =	vadd.s32 v1, v4;
	_ =	sdelay $0x3  }
0x3a: {  	v3 =	vperm.xlane v3, v2  }
0x3b: {  	[hbm4b:s2+s3] =	stream.indirect_vreg.scatter [tilespmem:s9], [sflag:$0x1], $0x80, v4, vm0, $0xb8;
	[tilespmem:$0x18200] =	vst v63  }
0x3c: {  	s4 =	rddreg [dreg:$0x4];
	v3 =	vadd.s32 v1, v3  }
0x3d: {  	[hbm4b:s5+s3] =	stream.indirect_vreg.scatter [tilespmem:s4], [sflag:$0x1], $0x80, v4, vm0, $0xb8;
	[tilespmem:$0x18200] =	vst v63  }
0x3e: {  	s7 =	rddreg [dreg:$0x5]  }
0x3f: {  	[hbm4b:s6+s3] =	stream.indirect_vreg.scatter [tilespmem:s7], [sflag:$0x1], $0x80, v4, vm0, $0xb8;
	[tilespmem:$0x18200] =	vst v63  }
0x40: {  	s4 =	rddreg [dreg:$0x6]  }
0x41: {  	[hbm4b:s2+s3] =	stream.indirect_vreg.scatter [tilespmem:s4], [sflag:$0x1], $0x80, v3, vm0, $0xb8;
	[tilespmem:$0x18200] =	vst v63  }
0x42: {  	s7 =	rddreg [dreg:$0x7]  }
0x43: {  	[hbm4b:s5+s3] =	stream.indirect_vreg.scatter [tilespmem:s7], [sflag:$0x1], $0x80, v3, vm0, $0xb8;
	[tilespmem:$0x18200] =	vst v63  }
0x44: {  	s4 =	rddreg [dreg:$0x8]  }
0x45: {  	[hbm4b:s6+s3] =	stream.indirect_vreg.scatter [tilespmem:s4], [sflag:$0x1], $0x80, v3, vm0, $0xb8;
	[tilespmem:$0x18200] =	vst v63  }
0x46: {  	v3 =	vld [tilespmem:s1+$0xFFFFFFD0];
	_ =	sdelay $0x4  }
0x47: {  	v57 =	vshrl.u32 v3, $0x3  }
0x48: {  	v4 =	vmul.u32 $0x30, v57  }
0x49: {  	v3 =	vand.u32 $0x7, v3  }
0x4a: {  	v3 =	vor.u32 v3, v4  }
0x4b: {  	v4 =	vperm.xlane v3, v0;
	_ =	sdelay $0x1  }
0x4c: {  	v4 =	vadd.s32 v1, v4;
	_ =	sdelay $0x3  }
0x4d: {  	s4 =	rddreg [dreg:$0x9];
	v3 =	vperm.xlane v3, v2  }
0x4e: {  	[hbm4b:s2+s3] =	stream.indirect_vreg.scatter [tilespmem:s4], [sflag:$0x1], $0x80, v4, vm0, $0xb8;
	[tilespmem:$0x18200] =	vst v63  }
0x4f: {  	s7 =	rddreg [dreg:$0xa];
	v3 =	vadd.s32 v1, v3  }
0x50: {  	[hbm4b:s5+s3] =	stream.indirect_vreg.scatter [tilespmem:s7], [sflag:$0x1], $0x80, v4, vm0, $0xb8;
	[tilespmem:$0x18200] =	vst v63  }
0x51: {  	s4 =	rddreg [dreg:$0xb]  }
0x52: {  	[hbm4b:s6+s3] =	stream.indirect_vreg.scatter [tilespmem:s4], [sflag:$0x1], $0x80, v4, vm0, $0xb8;
	[tilespmem:$0x18200] =	vst v63  }
0x53: {  	s7 =	rddreg [dreg:$0xc]  }
0x54: {  	[hbm4b:s2+s3] =	stream.indirect_vreg.scatter [tilespmem:s7], [sflag:$0x1], $0x80, v3, vm0, $0xb8;
	[tilespmem:$0x18200] =	vst v63  }
0x55: {  	s4 =	rddreg [dreg:$0xd]  }
0x56: {  	[hbm4b:s5+s3] =	stream.indirect_vreg.scatter [tilespmem:s4], [sflag:$0x1], $0x80, v3, vm0, $0xb8;
	[tilespmem:$0x18200] =	vst v63  }
0x57: {  	s7 =	rddreg [dreg:$0xe]  }
0x58: {  	[hbm4b:s6+s3] =	stream.indirect_vreg.scatter [tilespmem:s7], [sflag:$0x1], $0x80, v3, vm0, $0xb8;
	[tilespmem:$0x18200] =	vst v63  }
0x59: {  	v3 =	vld [tilespmem:s1+$0xFFFFFFE0];
	_ =	sdelay $0x4  }
0x5a: {  	v58 =	vshrl.u32 v3, $0x3  }
0x5b: {  	v4 =	vmul.u32 $0x30, v58  }
0x5c: {  	v3 =	vand.u32 $0x7, v3  }
0x5d: {  	v3 =	vor.u32 v3, v4  }
0x5e: {  	v4 =	vperm.xlane v3, v0;
	_ =	sdelay $0x1  }
0x5f: {  	v4 =	vadd.s32 v1, v4;
	_ =	sdelay $0x3  }
0x60: {  	s4 =	rddreg [dreg:$0xf];
	v3 =	vperm.xlane v3, v2  }
0x61: {  	[hbm4b:s2+s3] =	stream.indirect_vreg.scatter [tilespmem:s4], [sflag:$0x1], $0x80, v4, vm0, $0xb8;
	[tilespmem:$0x18200] =	vst v63  }
0x62: {  	s7 =	rddreg [dreg:$0x10];
	v3 =	vadd.s32 v1, v3  }
0x63: {  	[hbm4b:s5+s3] =	stream.indirect_vreg.scatter [tilespmem:s7], [sflag:$0x1], $0x80, v4, vm0, $0xb8;
	[tilespmem:$0x18200] =	vst v63  }
0x64: {  	s4 =	rddreg [dreg:$0x11]  }
0x65: {  	[hbm4b:s6+s3] =	stream.indirect_vreg.scatter [tilespmem:s4], [sflag:$0x1], $0x80, v4, vm0, $0xb8;
	[tilespmem:$0x18200] =	vst v63  }
0x66: {  	s7 =	rddreg [dreg:$0x12]  }
0x67: {  	[hbm4b:s2+s3] =	stream.indirect_vreg.scatter [tilespmem:s7], [sflag:$0x1], $0x80, v3, vm0, $0xb8;
	[tilespmem:$0x18200] =	vst v63  }
0x68: {  	s4 =	rddreg [dreg:$0x13]  }
0x69: {  	[hbm4b:s5+s3] =	stream.indirect_vreg.scatter [tilespmem:s4], [sflag:$0x1], $0x80, v3, vm0, $0xb8;
	[tilespmem:$0x18200] =	vst v63  }
0x6a: {  	s7 =	rddreg [dreg:$0x14]  }
0x6b: {  	[hbm4b:s6+s3] =	stream.indirect_vreg.scatter [tilespmem:s7], [sflag:$0x1], $0x80, v3, vm0, $0xb8;
	[tilespmem:$0x18200] =	vst v63  }
0x6c: {  	v3 =	vld [tilespmem:s1+$0xFFFFFFF0];
	_ =	sdelay $0x4  }
0x6d: {  	v59 =	vshrl.u32 v3, $0x3  }
0x6e: {  	v4 =	vmul.u32 $0x30, v59  }
0x6f: {  	v3 =	vand.u32 $0x7, v3  }
0x70: {  	v3 =	vor.u32 v3, v4  }
0x71: {  	v4 =	vperm.xlane v3, v0;
	_ =	sdelay $0x1  }
0x72: {  	v4 =	vadd.s32 v1, v4;
	_ =	sdelay $0x3  }
0x73: {  	s4 =	rddreg [dreg:$0x15];
	v3 =	vperm.xlane v3, v2  }
0x74: {  	[hbm4b:s2+s3] =	stream.indirect_vreg.scatter [tilespmem:s4], [sflag:$0x1], $0x80, v4, vm0, $0xb8;
	[tilespmem:$0x18200] =	vst v63  }
0x75: {  	s7 =	rddreg [dreg:$0x16];
	v3 =	vadd.s32 v1, v3  }
0x76: {  	[hbm4b:s5+s3] =	stream.indirect_vreg.scatter [tilespmem:s7], [sflag:$0x1], $0x80, v4, vm0, $0xb8;
	[tilespmem:$0x18200] =	vst v63  }
0x77: {  	s4 =	rddreg [dreg:$0x17]  }
0x78: {  	[hbm4b:s6+s3] =	stream.indirect_vreg.scatter [tilespmem:s4], [sflag:$0x1], $0x80, v4, vm0, $0xb8;
	[tilespmem:$0x18200] =	vst v63  }
0x79: {  	s7 =	rddreg [dreg:$0x18]  }
0x7a: {  	[hbm4b:s2+s3] =	stream.indirect_vreg.scatter [tilespmem:s7], [sflag:$0x1], $0x80, v3, vm0, $0xb8;
	[tilespmem:$0x18200] =	vst v63  }
0x7b: {  	s4 =	rddreg [dreg:$0x19]  }
0x7c: {  	[hbm4b:s5+s3] =	stream.indirect_vreg.scatter [tilespmem:s4], [sflag:$0x1], $0x80, v3, vm0, $0xb8;
	[tilespmem:$0x18200] =	vst v63  }
0x7d: {  	s7 =	rddreg [dreg:$0x1a]  }
0x7e: {  	[hbm4b:s6+s3] =	stream.indirect_vreg.scatter [tilespmem:s7], [sflag:$0x1], $0x80, v3, vm0, $0xb8;
	[tilespmem:$0x18200] =	vst v63  }
0x7f: {  	v3 =	vld [tilespmem:s1+$0x0];
	_ =	sdelay $0x4  }
0x80: {  	v60 =	vshrl.u32 v3, $0x3  }
0x81: {  	v4 =	vmul.u32 $0x30, v60  }
0x82: {  	v3 =	vand.u32 $0x7, v3  }
0x83: {  	v3 =	vor.u32 v3, v4  }
0x84: {  	v4 =	vperm.xlane v3, v0;
	_ =	sdelay $0x1  }
0x85: {  	v4 =	vadd.s32 v1, v4;
	_ =	sdelay $0x3  }
0x86: {  	s4 =	rddreg [dreg:$0x1b];
	v3 =	vperm.xlane v3, v2  }
0x87: {  	[hbm4b:s2+s3] =	stream.indirect_vreg.scatter [tilespmem:s4], [sflag:$0x1], $0x80, v4, vm0, $0xb8;
	[tilespmem:$0x18200] =	vst v63  }
0x88: {  	s7 =	rddreg [dreg:$0x1c];
	v3 =	vadd.s32 v1, v3  }
0x89: {  	[hbm4b:s5+s3] =	stream.indirect_vreg.scatter [tilespmem:s7], [sflag:$0x1], $0x80, v4, vm0, $0xb8;
	[tilespmem:$0x18200] =	vst v63  }
0x8a: {  	s4 =	rddreg [dreg:$0x1d]  }
0x8b: {  	[hbm4b:s6+s3] =	stream.indirect_vreg.scatter [tilespmem:s4], [sflag:$0x1], $0x80, v4, vm0, $0xb8;
	[tilespmem:$0x18200] =	vst v63  }
0x8c: {  	s7 =	rddreg [dreg:$0x1e]  }
0x8d: {  	[hbm4b:s2+s3] =	stream.indirect_vreg.scatter [tilespmem:s7], [sflag:$0x1], $0x80, v3, vm0, $0xb8;
	[tilespmem:$0x18200] =	vst v63  }
0x8e: {  	_ = 	snop  }
0x8f: {  	[hbm4b:s5+s3] =	stream.indirect_vreg.scatter [tilespmem:s10], [sflag:$0x1], $0x80, v3, vm0, $0xb8;
	[tilespmem:$0x18200] =	vst v63  }
0x90: {  	_ = 	snop  }
0x91: {  	[hbm4b:s6+s3] =	stream.indirect_vreg.scatter [tilespmem:s11], [sflag:$0x1], $0x80, v3, vm0, $0xb8;
	[tilespmem:$0x18200] =	vst v63  }
0x92: {  	v3 =	vld [tilespmem:s1+$0x10];
	_ =	sdelay $0x4  }
0x93: {  	v61 =	vshrl.u32 v3, $0x3  }
0x94: {  	v4 =	vmul.u32 $0x30, v61  }
0x95: {  	v3 =	vand.u32 $0x7, v3  }
0x96: {  	v3 =	vor.u32 v3, v4  }
0x97: {  	v4 =	vperm.xlane v3, v0;
	_ =	sdelay $0x1  }
0x98: {  	v4 =	vadd.s32 v1, v4;
	_ =	sdelay $0x3  }
0x99: {  	v3 =	vperm.xlane v3, v2  }
0x9a: {  	[hbm4b:s2+s3] =	stream.indirect_vreg.scatter [tilespmem:s12], [sflag:$0x1], $0x80, v4, vm0, $0xb8;
	[tilespmem:$0x18200] =	vst v63  }
0x9b: {  	v3 =	vadd.s32 v1, v3  }
0x9c: {  	[hbm4b:s5+s3] =	stream.indirect_vreg.scatter [tilespmem:s13], [sflag:$0x1], $0x80, v4, vm0, $0xb8;
	[tilespmem:$0x18200] =	vst v63  }
0x9d: {  	_ = 	snop  }
0x9e: {  	[hbm4b:s6+s3] =	stream.indirect_vreg.scatter [tilespmem:s14], [sflag:$0x1], $0x80, v4, vm0, $0xb8;
	[tilespmem:$0x18200] =	vst v63  }
0x9f: {  	_ = 	snop  }
0xa0: {  	[hbm4b:s2+s3] =	stream.indirect_vreg.scatter [tilespmem:s15], [sflag:$0x1], $0x80, v3, vm0, $0xb8;
	[tilespmem:$0x18200] =	vst v63  }
0xa1: {  	_ = 	snop  }
0xa2: {  	[hbm4b:s5+s3] =	stream.indirect_vreg.scatter [tilespmem:s16], [sflag:$0x1], $0x80, v3, vm0, $0xb8;
	[tilespmem:$0x18200] =	vst v63  }
0xa3: {  	_ = 	snop  }
0xa4: {  	[hbm4b:s6+s3] =	stream.indirect_vreg.scatter [tilespmem:s17], [sflag:$0x1], $0x80, v3, vm0, $0xb8;
	[tilespmem:$0x18200] =	vst v63  }
0xa5: {  	v3 =	vld [tilespmem:s1+$0x20];
	_ =	sdelay $0x4  }
0xa6: {  	v62 =	vshrl.u32 v3, $0x3  }
0xa7: {  	v4 =	vmul.u32 $0x30, v62  }
0xa8: {  	v3 =	vand.u32 $0x7, v3  }
0xa9: {  	v3 =	vor.u32 v3, v4  }
0xaa: {  	v4 =	vperm.xlane v3, v0;
	_ =	sdelay $0x1  }
0xab: {  	v4 =	vadd.s32 v1, v4;
	_ =	sdelay $0x3  }
0xac: {  	v3 =	vperm.xlane v3, v2  }
0xad: {  	[hbm4b:s2+s3] =	stream.indirect_vreg.scatter [tilespmem:s18], [sflag:$0x1], $0x80, v4, vm0, $0xb8;
	[tilespmem:$0x18200] =	vst v63  }
0xae: {  	v3 =	vadd.s32 v1, v3  }
0xaf: {  	[hbm4b:s5+s3] =	stream.indirect_vreg.scatter [tilespmem:s19], [sflag:$0x1], $0x80, v4, vm0, $0xb8;
	[tilespmem:$0x18200] =	vst v63  }
0xb0: {  	_ = 	snop  }
0xb1: {  	[hbm4b:s6+s3] =	stream.indirect_vreg.scatter [tilespmem:s20], [sflag:$0x1], $0x80, v4, vm0, $0xb8;
	[tilespmem:$0x18200] =	vst v63  }
0xb2: {  	_ = 	snop  }
0xb3: {  	[hbm4b:s2+s3] =	stream.indirect_vreg.scatter [tilespmem:s21], [sflag:$0x1], $0x80, v3, vm0, $0xb8;
	[tilespmem:$0x18200] =	vst v63  }
0xb4: {  	_ = 	snop  }
0xb5: {  	[hbm4b:s5+s3] =	stream.indirect_vreg.scatter [tilespmem:s22], [sflag:$0x1], $0x80, v3, vm0, $0xb8;
	[tilespmem:$0x18200] =	vst v63  }
0xb6: {  	_ = 	snop  }
0xb7: {  	[hbm4b:s6+s3] =	stream.indirect_vreg.scatter [tilespmem:s23], [sflag:$0x1], $0x80, v3, vm0, $0xb8;
	[tilespmem:$0x18200] =	vst v63  }
0xb8: {  	v3 =	vld [tilespmem:s1+$0x30];
	_ =	sdelay $0x4  }
0xb9: {  	v63 =	vshrl.u32 v3, $0x3  }
0xba: {  	v4 =	vmul.u32 $0x30, v63  }
0xbb: {  	v3 =	vand.u32 $0x7, v3  }
0xbc: {  	v3 =	vor.u32 v3, v4  }
0xbd: {  	v4 =	vperm.xlane v3, v0;
	_ =	sdelay $0x1  }
0xbe: {  	v4 =	vadd.s32 v1, v4;
	_ =	sdelay $0x3  }
0xbf: {  	v3 =	vperm.xlane v3, v2  }
0xc0: {  	[hbm4b:s2+s3] =	stream.indirect_vreg.scatter [tilespmem:s24], [sflag:$0x1], $0x80, v4, vm0, $0xb8;
	[tilespmem:$0x18200] =	vst v63  }
0xc1: {  	v3 =	vadd.s32 v1, v3  }
0xc2: {  	[hbm4b:s5+s3] =	stream.indirect_vreg.scatter [tilespmem:s25], [sflag:$0x1], $0x80, v4, vm0, $0xb8;
	[tilespmem:$0x18200] =	vst v63  }
0xc3: {  	_ = 	snop  }
0xc4: {  	[hbm4b:s6+s3] =	stream.indirect_vreg.scatter [tilespmem:s26], [sflag:$0x1], $0x80, v4, vm0, $0xb8;
	[tilespmem:$0x18200] =	vst v63  }
0xc5: {  	_ = 	snop  }
0xc6: {  	[hbm4b:s2+s3] =	stream.indirect_vreg.scatter [tilespmem:s28], [sflag:$0x1], $0x80, v3, vm0, $0xb8;
	[tilespmem:$0x18200] =	vst v63  }
0xc7: {  	p0 =	sne.s32 s0, $0x9000  }
0xc8: {  	[hbm4b:s5+s3] =	stream.indirect_vreg.scatter [tilespmem:s29], [sflag:$0x1], $0x80, v3, vm0, $0xb8;
	[tilespmem:$0x18200] =	vst v63  }
.Ltmp0:
0xc9: {  	_ = 	snop;
	(pc) =	sbr.rel @p0 .LBB2_2-.Ltmp0, $4  }
0xca: {  	[hbm4b:s6+s3] =	stream.indirect_vreg.scatter [tilespmem:s30], [sflag:$0x1], $0x80, v3, vm0, $0xb8;
	[tilespmem:$0x18200] =	vst v63  }
0xcb: {  	_ =	swait.ge [sflag:s8], $0x18000  }
0xcc: {  	[sflag:s8] =	ssyncset.done $0x0  }
0xcd: {  	s0 =	sadd.s32 $0x3000, s0;
	s1 =	sadd.s32 $0x80, s1;
	[sflag:s8] =	ssyncadd.s32 $0xFFFE8000  }
0xce: {  	s0 =	sld [smem:$0x7FD];
	_ =	sdelay $0x1  }
0xcf: {  	s31 =	sadd.s32 $0x1, s31  }
0xd0: {  	p0 =	sne.s32 s31, s0  }
.Ltmp1:
0xd1: {  	_ = 	snop;
	(pc) =	sbr.rel @p0 .LBB2_1-.Ltmp1, $1  }
0xd2: {  	_ =	sdelay $0x3  }
0xd3: {  	_ =	sfence.sel $0x180000  }
0xd4: {  	[bflag:$0x0] =	sbarrier.arrive $0xFFFF  }
0xd5: {  	_ =	strace $0x9000004D  }
0xd6: {  	s0 =	stileid.u32;
	[bflag:$0x2] =	sbarrier.arrive $0xFFFF  }
0xd7: {  	p0 =	sne.s32 s0, $0x0;
	s0 =	rddreg [dreg:$0x2]  }
0xd8: {  	s0 =	sadd.s32 @!p0 $0x100000, s0  }
0xd9: {  	[sflag:s0] =	ssyncadd.tile.s32 @!p0 $0x1;
	_ =	shalt  }
.Lfunc_end2:
_tile_overlayer_lowered:
.L_overlay_start_2:
0xda: {  	(tag) =	ssettag $0x2  }
0xdb: {  	s0 =	rddreg [dreg:$0x0];
	s2 =	stileid.u32  }
0xdc: {  	s1 =	rddreg [dreg:$0x1];
	p0 =	sne.s32 s2, $0x0  }
0xdd: {  	s3 =	rddreg [dreg:$0x2];
	[bflag:$0x3] =	sbarrier.arrive $0xFFFF;
	s2 =	simm.s32 @!p0 $0x1C01  }
0xde: {  	[timem:s3], [sflag:s2] =	dma.local @!p0 [hbm:s0], s1  }
0xdf: {  	s0 =	simm.s32 @!p0 $0x1  }
0xe0: {  	_ =	swait.ge @!p0 [sflag:s0], s1  }
0xe1: {  	s1 =	ssub.s32 @!p0 $0x0, s1;
	[sflag:s0] =	ssyncset.done @!p0 $0x0  }
0xe2: {  	[sflag:s0] =	ssyncadd.s32 @!p0 s1  }
0xe3: {  	[bflag:$0x3] =	sbarrier.arrive $0xFFFF  }
0xe4: {  	_ =	shalt  }

// kernel: scatter_offload_async_start
scs
__scs_entry_jumppad:
0x0: {  	(pc) =	sbr.rel $0x88, $3  }
0x1: {  	(tag) =	ssettag $0x0;
	lr =	simm.s32 $0x1  }
0x2: {  	[smem:$0x3F9C] =	sst lr;
	_ =	strace $0xD0000000  }
0x3: {  	_ = 	snop  }
0x4: {  	_ = 	snop  }
0x5: {  	_ = 	snop  }
0x6: {  	_ = 	snop  }
0x7: {  	_ = 	snop  }
__scs_overlays_trampoline_lowered:
0x8: {  	[smem:$0x3FAB] =	sst s0  }
0x9: {  	[smem:$0x3FAC] =	sst s1  }
0xa: {  	[smem:$0x3FAD] =	sst s2  }
0xb: {  	[smem:$0x3FAE] =	sst s3  }
0xc: {  	[smem:$0x3FAF] =	sst s4  }
0xd: {  	[smem:$0x3FB0] =	sst s5  }
0xe: {  	[smem:$0x3FB1] =	sst s6  }
0xf: {  	[smem:$0x3FB2] =	sst s7  }
0x10: {  	[smem:$0x3FB3] =	sst s8  }
0x11: {  	[smem:$0x3FB4] =	sst s9;
	s0 =	simm.s32 @!p0 $0x0  }
0x12: {  	s1 =	sld [smem:$0x3F9A];
	s0 =	simm.s32 @p0 $0x1  }
0x13: {  	[smem:$0x3FB5] =	sst s0;
	s0 =	simm.s32 @!p1 $0x0  }
0x14: {  	s2 =	sld [smem:$0x3F99];
	s0 =	simm.s32 @p1 $0x1  }
0x15: {  	[smem:$0x3FB6] =	sst s0;
	s0 =	simm.s32 @!p2 $0x0  }
0x16: {  	s3 =	sld [smem:$0x3FDB];
	s0 =	simm.s32 @p2 $0x1  }
0x17: {  	s4 =	simm.s32 $0x1BF5;
	[smem:$0x3FB8] =	sst s0  }
0x18: {  	s0 =	sld [smem:$0x3F9B];
	_ =	swait.ge [sflag:s4], $0x0  }
0x19: {  	s7 =	sld [smem:$0x3F9C]  }
0x1a: {  	s8 =	sadd.s32 $0xFFFFE003, lr  }
0x1b: {  	s9 =	sadd.s32 $0xFFFFFEF7, lr;
	s5 =	simm.s32 $0xFFFFFFFF;
	p2 =	slt.u32 s8, $0xFFFFF086  }
0x1c: {  	p1 =	slt.u32 s9, $0xF7A;
	s5 =	simm.s32 @!p2 $0x0  }
0x1d: {  	s5 =	simm.s32 @p1 $0x1;
	p0 =	seq.s32 s7, s2  }
0x1e: {  	s7 =	smul.u32 @!p0 $0xF7A, s2;
	p2 =	seq.s32 @!p0 s5, $0x0  }
0x1f: {  	s9 =	smul.u32 $0xF7A, s1;
	s8 =	simm.s32 @!p0 $0x1BF5;
	p2 =	por !p2, p0  }
0x20: {  	[sflag:s8] =	ssyncset.s32 @!p0 $0xFFFFF086;
	s6 =	sadd.s32 @!p0 s3, s7;
	s7 =	simm.s32 @!p0 $0x108  }
0x21: {  	s3 =	sadd.s32 s3, s9;
	s6 =	sadd.s32 @!p0 $0x88, s6;
	s7 =	simm.s32 @p2 $0x1082  }
0x22: {  	[simem:s7], [sflag:s8] =	dma.local @!p0 [hbm:s6], $0xF7A  }
0x23: {  	s9 =	sor.u32 $0xD0000000, s2;
	s6 =	simm.s32 $0x108;
	_ =	swait.ge @!p0 [sflag:s8], $0x0  }
0x24: {  	s3 =	sadd.s32 $0x88, s3;
	s6 =	simm.s32 @!p1 $0x1082;
	[sflag:s4] =	ssyncset.s32 $0xFFFFF086  }
0x25: {  	[simem:s6], [sflag:s4] =	dma.local [hbm:s3], $0xF7A  }
0x26: {  	[smem:$0x3F9C] =	sst s1;
	(tag) =	ssettag s2;
	_ =	strace s9  }
0x27: {  	s1 =	sld [smem:$0x3FAC]  }
0x28: {  	s2 =	sld [smem:$0x3FAD]  }
0x29: {  	s4 =	sld [smem:$0x3FAF]  }
0x2a: {  	p0 =	seq.s32 s5, $0x0;
	s5 =	sld [smem:$0x3FB0]  }
0x2b: {  	s6 =	sld [smem:$0x3FB1]  }
0x2c: {  	s7 =	sld [smem:$0x3FB2]  }
0x2d: {  	s3 =	simm.s32 $0x108;
	s8 =	sld [smem:$0x3FB3]  }
0x2e: {  	s3 =	simm.s32 @!p0 $0x1082;
	s9 =	sld [smem:$0x3FB4]  }
0x2f: {  	lr =	sadd.s32 s0, s3;
	s0 =	sld [smem:$0x3FAB]  }
0x30: {  	s3 =	sld [smem:$0x3FAE]  }
0x31: {  	[smem:$0x3FB7] =	sst s10  }
0x32: {  	s10 =	sld [smem:$0x3FB5];
	_ =	sdelay $0x3  }
0x33: {  	p0 =	seq.s32 s10, $0x1;
	s10 =	sld [smem:$0x3FB7];
	_ =	sdelay $0x3  }
0x34: {  	[smem:$0x3FB7] =	sst s10  }
0x35: {  	s10 =	sld [smem:$0x3FB6];
	_ =	sdelay $0x3  }
0x36: {  	p1 =	seq.s32 s10, $0x1;
	s10 =	sld [smem:$0x3FB7];
	_ =	sdelay $0x3  }
0x37: {  	[smem:$0x3FB7] =	sst s10  }
0x38: {  	s10 =	sld [smem:$0x3FB8]  }
0x39: {  	_ = 	snop;
	(pc) =	sbr.ind lr, $3  }
0x3a: {  	_ = 	snop  }
0x3b: {  	_ = 	snop  }
0x3c: {  	p2 =	seq.s32 s10, $0x1;
	s10 =	sld [smem:$0x3FB7]  }
0x3d: {  	_ =	shalt  }
0x3e: {  	_ =	shalt  }
0x3f: {  	_ =	shalt  }
0x40: {  	_ =	shalt  }
0x41: {  	_ =	shalt  }
0x42: {  	_ =	shalt  }
0x43: {  	_ =	shalt  }
0x44: {  	_ =	shalt  }
0x45: {  	_ =	shalt  }
0x46: {  	_ =	shalt  }
0x47: {  	_ =	shalt  }
0x48: {  	_ =	shalt  }
0x49: {  	_ =	shalt  }
0x4a: {  	_ =	shalt  }
0x4b: {  	_ =	shalt  }
0x4c: {  	_ =	shalt  }
0x4d: {  	_ =	shalt  }
0x4e: {  	_ =	shalt  }
0x4f: {  	_ =	shalt  }
0x50: {  	_ =	shalt  }
0x51: {  	_ =	shalt  }
0x52: {  	_ =	shalt  }
0x53: {  	_ =	shalt  }
0x54: {  	_ =	shalt  }
0x55: {  	_ =	shalt  }
0x56: {  	_ =	shalt  }
0x57: {  	_ =	shalt  }
0x58: {  	_ =	shalt  }
0x59: {  	_ =	shalt  }
0x5a: {  	_ =	shalt  }
0x5b: {  	_ =	shalt  }
0x5c: {  	_ =	shalt  }
0x5d: {  	_ =	shalt  }
0x5e: {  	_ =	shalt  }
0x5f: {  	_ =	shalt  }
0x60: {  	_ =	shalt  }
0x61: {  	_ =	shalt  }
0x62: {  	_ =	shalt  }
0x63: {  	_ =	shalt  }
0x64: {  	_ =	shalt  }
0x65: {  	_ =	shalt  }
0x66: {  	_ =	shalt  }
0x67: {  	_ =	shalt  }
0x68: {  	_ =	shalt  }
0x69: {  	_ =	shalt  }
0x6a: {  	_ =	shalt  }
0x6b: {  	_ =	shalt  }
0x6c: {  	_ =	shalt  }
0x6d: {  	_ =	shalt  }
0x6e: {  	_ =	shalt  }
0x6f: {  	_ =	shalt  }
0x70: {  	_ =	shalt  }
0x71: {  	_ =	shalt  }
0x72: {  	_ =	shalt  }
0x73: {  	_ =	shalt  }
0x74: {  	_ =	shalt  }
0x75: {  	_ =	shalt  }
0x76: {  	_ =	shalt  }
0x77: {  	_ =	shalt  }
0x78: {  	_ =	shalt  }
0x79: {  	_ =	shalt  }
0x7a: {  	_ =	shalt  }
0x7b: {  	_ =	shalt  }
0x7c: {  	_ =	shalt  }
0x7d: {  	_ =	shalt  }
0x7e: {  	_ =	shalt  }
0x7f: {  	_ =	shalt  }
0x80: {  	_ =	shalt  }
0x81: {  	_ =	shalt  }
0x82: {  	_ =	shalt  }
0x83: {  	_ =	shalt  }
0x84: {  	_ =	shalt  }
0x85: {  	_ =	shalt  }
0x86: {  	_ =	shalt  }
0x87: {  	_ =	shalt  }
.Lfunc_end0:
.L_simem_size_0:
called_computation_lowered:
.L_overlay_start_0:
0x88: {  	s0 =	sld [smem:$0x3FD9]  }
0x89: {  	s1 =	sld [smem:$0x3FFE];
	_ =	sdelay $0x3  }
0x8a: {  	s0 =	sadd.s32 s1, s0  }
0x8b: {  	[smem:$0x3FC3] =	sst s0  }
0x8c: {  	_ = 	snop  }
0x8d: {  	(tm) =	ssettm $0x1  }
0x8e: {  	s15 =	sld [smem:$0x3FFB];
	_ =	sdelay $0x3  }
0x8f: {  	_ =	strace s15  }
0x90: {  	s0 =	sld [smem:$0x3FFC];
	_ =	sdelay $0x3  }
0x91: {  	_ =	strace s0  }
0x92: {  	s0 =	sld [smem:$0x3FFD];
	_ =	sdelay $0x3  }
0x93: {  	_ =	strace s0  }
0x94: {  	_ =	strace $0x8FFFFFFF  }
0x95: {  	s16 =	sld [smem:$0x3FDB];
	_ =	sdelay $0x1  }
0x96: {  	s17 =	simm.s32 $_scs_section_size  }
0x97: {  	s2 =	simm.s32 $_size__tile_overlayer_lowered;
	s3 =	simm.s32 $_tile_overlayer_lowered  }
0x98: {  	s20 =	simm.s32 $0x1BFF;
	s19 =	sshll.u32 s3, $0x1;
	s0 =	sadd.s32 s17, s16  }
0x99: {  	s4 =	simm.s32 $0x0;
	s18 =	sshll.u32 s2, $0x1;
	s2 =	sadd.s32 s19, s0  }
0x9a: {  	[timem:s4], [sflag:s20] =	dma.local [hbm:s2], s18  }
0x9b: {  	_ =	swait.ge [sflag:s20], s18  }
0x9c: {  	s1 =	ssub.s32 $0x0, s18;
	[sflag:s20] =	ssyncset.done $0x0  }
0x9d: {  	[sflag:s20] =	ssyncadd.s32 s1;
	_ =	sdelay $0x1  }
0x9e: {  	s21 =	simm.s32 $0x1B8B  }
0x9f: {  	_ =	swait.ge [sflag:s21], $0x1  }
0xa0: {  	[sflag:s21] =	ssyncset.done $0x0  }
0xa1: {  	s23 =	simm.s32 $0x1B8E;
	s22 =	sld [smem:$0x3FFE];
	[sflag:s21] =	ssyncadd.s32 $0xFFFFFFFF  }
0xa2: {  	s24 =	simm.s32 $execute0_lowered;
	[smem:$0x3FD2] =	sst s23  }
0xa3: {  	s2 =	sshll.u32 s24, $0x1;
	_ =	strace $0x80000046;
	[dreg:$0x1] =	wrdreg $0xFFFFFFFF  }
0xa4: {  	s25 =	simm.s32 $_size_execute0_lowered;
	s0 =	sadd.s32 s0, s2;
	[dreg:$0x0] =	wrdreg $0x0  }
0xa5: {  	s2 =	sshll.u32 s25, $0x1;
	[dreg:$0x2] =	wrdreg s0  }
0xa6: {  	[dreg:$0x3] =	wrdreg s2  }
0xa7: {  	[dreg:$0x4] =	wrdreg $0xC0  }
0xa8: {  	_ =	task [dreg:s4], $0x5FFFF  }
0xa9: {  	[dreg:$0x1] =	wrdreg $0xFFFFFFFF  }
0xaa: {  	[dreg:$0x0] =	wrdreg $0x60  }
0xab: {  	[dreg:$0x2] =	wrdreg s22  }
0xac: {  	[dreg:$0x3] =	wrdreg $0x9  }
0xad: {  	_ =	task.clear_ibuf [dreg:s4], $0x4FFFF;
	_ =	strace $0x90000046  }
0xae: {  	s26 =	simm.s32 $0x9;
	_ =	strace $0x80000048  }
0xaf: {  	_ =	swait.ge [sflag:s26], $0x1  }
0xb0: {  	[sflag:s26] =	ssyncadd.s32 $0xFFFFFFFF  }
0xb1: {  	_ =	strace $0x90000048  }
0xb2: {  	_ =	sfence  }
0xb3: {  	s28 =	sld [smem:$0x0];
	_ =	sdelay $0x1  }
0xb4: {  	s29 =	srdreg.scid  }
0xb5: {  	s30 =	sshll.u32 s29, $0xD;
	s31 =	sshrl.u32 s29, $0x2  }
0xb6: {  	s1 =	sand.u32 $0x1, s29;
	s2 =	sand.u32 $0x4000, s30;
	s0 =	sadd.s32 s31, s28  }
0xb7: {  	s1 =	sor.u32 s2, s1;
	s0 =	sshll.u32 s0, $0x11  }
0xb8: {  	s0 =	sor.u32 s0, s1  }
0xb9: {  	s0 =	sadd.s32 $0x8F2B, s0  }
0xba: {  	[sflag:s0] =	ssyncadd.remote.s32 $0x1  }
0xbb: {  	_ =	sfence.sel $0xFFFF  }
0xbc: {  	[dreg:$0x0] =	wrdreg $0xFFFFFFFF;
	(pc) =	sbr.abs _section_cstart, $3  }
0xbd: {  	[dreg:$0x1] =	wrdreg $0xFFFFFFFF  }
0xbe: {  	_ =	task.clear_ibuf [dreg:s4], $0x2FFFF;
	_ =	strace $0x9FFFFFFF  }
0xbf: {  	(tm) =	ssettm $0x7FFFFFFF  }
tec
execute0_lowered:
.L_overlay_start_1:
0x0: {  	(tag) =	ssettag $0x1  }
0x1: {  	s1 =	rddreg [dreg:$0x0]  }
0x2: {  	s0 =	rddreg [dreg:$0x1];
	_ =	strace $0x80000047;
	s2 =	stileid.u32  }
0x3: {  	s4 =	simm.s32 $0x3E;
	s3 =	sadd.s32 $0x1200, s1;
	p0 =	sne.s32 s2, $0x0  }
0x4: {  	[sflag:s4] =	ssyncpa.u1 $0x0;
	s5 =	simm.s32 @!p0 $0x1C3E;
	s6 =	simm.s32 @!p0 $0x0  }
0x5: {  	[spmem:s6], [sflag:s5] =	dma.local @!p0 [hbm:s3], $0x10  }
0x6: {  	s5 =	simm.s32 @!p0 $0x3E  }
0x7: {  	_ =	swait.ge @!p0 [sflag:s5], $0x10  }
0x8: {  	[sflag:s5] =	ssyncset.done @!p0 $0x0  }
0x9: {  	[sflag:s5] =	ssyncadd.s32 @!p0 $0xFFFFFFF0  }
0xa: {  	s24 =	simm.s32 $0x1;
	s25 =	simm.s32 $0x2;
	[bflag:$0x0] =	sbarrier.arrive $0xFFFF  }
0xb: {  	s8 =	simm.s32 $0x0;
	s9 =	simm.s32 $0x28;
	[sflag:s4] =	ssyncpa.u1 $0x1  }
0xc: {  	s7 =	sadd.s32 $0x1400, s1;
	s2 =	sshll.u32 s2, $0x2;
	[sflag:s24] =	ssyncpa.u1 $0x0  }
0xd: {  	s1 =	sadd.s32 s1, s2;
	(ifvalue) =	ssetifvalue $0x80;
	[sflag:s25] =	ssyncpa.u1 $0x0  }
0xe: {  	[tilespmem:s9], [sflag:$0x2] =	stream.linear.gather [hbm4b:s1+s8], $0x20, $0x38;
	[tilespmem:$0x88] =	vst v63  }
0xf: {  	s28 =	simm.s32 $0x68;
	s26 =	sadd.s32 s7, s2  }
0x10: {  	[tilespmem:s28], [sflag:$0x2] =	stream.linear.gather [hbm4b:s26+s8], $0x20, $0x38;
	[tilespmem:$0x88] =	vst v63  }
0x11: {  	_ =	swait.ge [sflag:s25], $0x40  }
0x12: {  	[sflag:s25] =	ssyncset.done $0x0  }
0x13: {  	[sflag:s25] =	ssyncadd.s32 $0xFFFFFFC0  }
0x14: {  	v0 =	vld.msk [tilespmem:s9+$0x0 ss:$0x1], $0xffff;
	_ =	sdelay $0x4  }
0x15: {  	v0 =	vmin.u32 v0, $0x80;
	_ =	sdelay $0x3  }
0x16: {  	vm0 =	vmmov $0xffff;
	s29 =	simm.s32 $0x38  }
0x17: {  	[spmem:s8] =	stream.indirect_vreg.scatter.add.s32 [tilespmem:s28], [sflag:$0x1], $0x1, v0, vm0, $0x4038;
	[tilespmem:$0x88] =	vst v63  }
0x18: {  	v0 =	vld.msk [tilespmem:s29+$0x0 ss:$0x1], $0xffff;
	_ =	sdelay $0x4  }
0x19: {  	v0 =	vmin.u32 v0, $0x80;
	_ =	sdelay $0x3  }
0x1a: {  	s30 =	simm.s32 $0x78  }
0x1b: {  	[spmem:s8] =	stream.indirect_vreg.scatter.add.s32 [tilespmem:s30], [sflag:$0x1], $0x1, v0, vm0, $0x4038;
	[tilespmem:$0x88] =	vst v63  }
0x1c: {  	_ =	swait.ge [sflag:s24], $0x20  }
0x1d: {  	[sflag:s24] =	ssyncset.done $0x0  }
0x1e: {  	[sflag:s24] =	ssyncadd.s32 $0xFFFFFFE0  }
0x1f: {  	_ =	sfence.sel $0x180000  }
0x20: {  	[bflag:$0x0] =	sbarrier.arrive $0xFFFF  }
0x21: {  	[sflag:s25] =	ssyncpa.u1 $0x1  }
0x22: {  	[sflag:s24] =	ssyncpa.u1 $0x1  }
0x23: {  	_ =	sfence.stream.spmem  }
0x24: {  	s31 =	simm.s32 $0x3D;
	[bflag:$0x0] =	sbarrier.arrive $0xFFFF  }
0x25: {  	s1 =	simm.s32 @p0 $0x3D;
	[sflag:s31] =	ssyncpa.u1 $0x0  }
0x26: {  	[sflag:s1] =	ssyncpa.u1 @p0 $0x1  }
0x27: {  	[bflag:$0x0] =	sbarrier.arrive @p0 $0xFFFF  }
0x28: {  	_ =	strace @p0 $0x90000047  }
0x29: {  	s1 =	simm.s32 @!p0 $0x1C3D;
	[bflag:$0x2] =	sbarrier.arrive @p0 $0xFFFF  }
0x2a: {  	[hbm:s3], [sflag:s1] =	dma.local @!p0 [spmem:s6], $0x10  }
0x2b: {  	s1 =	simm.s32 @!p0 $0x3D  }
0x2c: {  	_ =	swait.ge @!p0 [sflag:s1], $0x10  }
0x2d: {  	[sflag:s1] =	ssyncset.done @!p0 $0x0  }
0x2e: {  	[sflag:s1] =	ssyncadd.s32 @!p0 $0xFFFFFFF0  }
0x2f: {  	[sflag:s1] =	ssyncpa.u1 @!p0 $0x1  }
0x30: {  	[bflag:$0x0] =	sbarrier.arrive @!p0 $0xFFFF  }
0x31: {  	_ =	strace @!p0 $0x90000047  }
0x32: {  	s0 =	sadd.s32 @!p0 $0x100000, s0;
	[bflag:$0x2] =	sbarrier.arrive @!p0 $0xFFFF  }
0x33: {  	[sflag:s0] =	ssyncadd.tile.s32 @!p0 $0x1;
	_ =	shalt  }
.Lfunc_end2:
_tile_overlayer_lowered:
.L_overlay_start_2:
0x34: {  	(tag) =	ssettag $0x2  }
0x35: {  	s0 =	rddreg [dreg:$0x0];
	s2 =	stileid.u32  }
0x36: {  	s1 =	rddreg [dreg:$0x1];
	p0 =	sne.s32 s2, $0x0  }
0x37: {  	s3 =	rddreg [dreg:$0x2];
	[bflag:$0x3] =	sbarrier.arrive $0xFFFF;
	s2 =	simm.s32 @!p0 $0x1C01  }
0x38: {  	[timem:s3], [sflag:s2] =	dma.local @!p0 [hbm:s0], s1  }
0x39: {  	s0 =	simm.s32 @!p0 $0x1  }
0x3a: {  	_ =	swait.ge @!p0 [sflag:s0], s1  }
0x3b: {  	s1 =	ssub.s32 @!p0 $0x0, s1;
	[sflag:s0] =	ssyncset.done @!p0 $0x0  }
0x3c: {  	[sflag:s0] =	ssyncadd.s32 @!p0 s1  }
0x3d: {  	[bflag:$0x3] =	sbarrier.arrive $0xFFFF  }
0x3e: {  	_ =	shalt  }

</sc_bundles>
